<compile_context>
chip_gen: v7x
topology: tpu7x:2x2x1
jax: 0.10.2.dev20260603
libtpu: 0.0.44.dev20260713+nightly
codegen_flags: <defaults>
</compile_context>

<pallas_src>
import functools

import jax
import jax.numpy as jnp
from jax import lax
from jax.experimental import pallas as pl
from jax.experimental.pallas import tpu as pltpu
from jax.experimental.pallas import tpu_sc as plsc

_B = 16384
_L = 50
_D = 64
_V = 1000000
_VMAIN = 999936
_VTAIL = _V - _VMAIN
_VPAD = _VMAIN + 128

_NT = 16
_BT = _B // _NT
_G = _BT // 128
_DPC = _D // 2
_LS = _L // 2
_NSLOT = 8

_CH_A = 62464
_CH_B = 62592
_N_A = 12


def _chunk(t):
    if t < _N_A:
        return t * _CH_A, _CH_A
    return _N_A * _CH_A + (t - _N_A) * _CH_B, _CH_B


def _sc_body(xi_hbm, mu_hbm, sig_hbm, mu_tail, sig_tail, mu_out, sig_out,
             idx_v, gbuf, feat_s, sem_g, sem_o):
    c = lax.axis_index("c")
    t = lax.axis_index("s")
    b0 = t * _BT

    pltpu.sync_copy(xi_hbm.at[:, pl.ds(t * _BT, _BT)], idx_v)

    def _load_main(row_view):
        for tt in range(_NT):
            off, n = _chunk(tt)

            @pl.when(t == tt)
            def _():
                pltpu.sync_copy(row_view.at[pl.ds(off, n)],
                                feat_s.at[pl.ds(off, n)])

    def _load_tail(tail_view):
        @pl.when(t == 0)
        def _():
            pltpu.sync_copy(tail_view, feat_s.at[pl.ds(_VMAIN, 128)])

    def _fire_gathers(l, slot):
        for g in range(_G):
            pltpu.async_copy(
                feat_s.at[idx_v.at[l, pl.ds(g * 128, 128)]],
                gbuf.at[pl.ds(slot * _BT + g * 128, 128)], sem_g)

    def _wait_4k(sem):
        pltpu.make_async_copy(mu_tail.at[pl.ds(0, _BT)],
                              gbuf.at[pl.ds(0, _BT)], sem).wait()

    def _drain_out(n):
        def w_body(i, cc):
            _wait_4k(sem_o)
            return cc

        lax.fori_loop(0, n, w_body, 0)

    def _pipeline(n_l, l_of, write_out):
        _fire_gathers(l_of(0), 0)

        def l_body(l, cc):
            @pl.when(l >= _NSLOT - 1)
            def _():
                _wait_4k(sem_o)

            @pl.when(l < n_l - 1)
            def _():
                _fire_gathers(l_of(l + 1), lax.rem(l + 1, _NSLOT))

            _wait_4k(sem_g)
            write_out(l, lax.rem(l, _NSLOT))
            return cc

        lax.fori_loop(0, n_l, l_body, 0)
        _drain_out(_NSLOT - 1)

    def d_body(di, carry):
        d = c * _DPC + di
        _load_main(mu_hbm.at[d])
        _load_tail(mu_tail.at[pl.ds(d * 128, 128)])
        plsc.subcore_barrier()

        def mu_write(l, slot):
            pltpu.async_copy(gbuf.at[pl.ds(slot * _BT, _BT)],
                             mu_out.at[l, d, pl.ds(b0, _BT)], sem_o)

        _pipeline(_L, lambda l: l, mu_write)
        plsc.subcore_barrier()
        return carry

    lax.fori_loop(0, _DPC, d_body, 0)

    _load_main(sig_hbm)
    _load_tail(sig_tail)
    plsc.subcore_barrier()

    def sig_write(l, slot):
        pltpu.async_copy(gbuf.at[pl.ds(slot * _BT, _BT)],
                         sig_out.at[c * _LS + l, pl.ds(b0, _BT)], sem_o)

    _pipeline(_LS, lambda l: c * _LS + l, sig_write)
    plsc.subcore_barrier()


_sc_call = functools.partial(
    pl.kernel,
    out_type=(jax.ShapeDtypeStruct((_L, _D, _B), jnp.float32),
              jax.ShapeDtypeStruct((_L, _B), jnp.float32)),
    mesh=plsc.VectorSubcoreMesh(core_axis_name="c", subcore_axis_name="s"),
    scratch_types=[
        pltpu.VMEM((_L, _BT), jnp.int32),
        pltpu.VMEM((_NSLOT * _BT,), jnp.float32),
        pltpu.VMEM_SHARED((_VPAD,), jnp.float32),
        pltpu.SemaphoreType.DMA,
        pltpu.SemaphoreType.DMA,
    ],
)(_sc_body)


def _softplus_body(s_ref, o_ref):
    v = s_ref[...]
    o_ref[...] = jnp.maximum(v, 0.0) + jnp.log1p(jnp.exp(-jnp.abs(v)))


def _softplus_tc(s2):
    return pl.pallas_call(
        _softplus_body,
        out_shape=jax.ShapeDtypeStruct(s2.shape, jnp.float32),
    )(s2)


def kernel(x, mu_table, sigma_table):
    x3 = x.T
    mu_t = mu_table.T
    sig_t = sigma_table.reshape(_V)
    mu_tail = jnp.pad(mu_t[:, _VMAIN:], ((0, 0), (0, 128 - _VTAIL))).reshape(-1)
    sig_tail = jnp.pad(sig_t[_VMAIN:], (0, 128 - _VTAIL))
    mu_p, sig_p = _sc_call(x3, mu_t, sig_t, mu_tail, sig_tail)
    sig_sp = _softplus_tc(sig_p)
    mu = jnp.transpose(mu_p, (2, 0, 1))
    sigma = jnp.transpose(sig_sp, (1, 0))[:, :, None]
    return (mu, sigma)

# --- scband reference (transcript-rebuilt; emitter-appended) ---
"""Pipeline reference for scband-prior-90159953478378 (READ-ONLY COPY).

The authoritative reference and input builder live on the scoring server;
editing this copy changes nothing except your own understanding.
"""

import jax, jax.numpy as jnp
import numpy as np

V_DIM = 1000000
D_DIM = 64
PAD_INDEX = 0
B = 16384
L = 50


def setup_inputs(seed: int = 0) -> dict:
    key = jax.random.key(seed)
    k_x, k_mu, k_sigma = jax.random.split(key, 3)
    x = jax.random.randint(k_x, (B, L), 0, V_DIM, dtype=jnp.int64 if jax.config.jax_enable_x64 else jnp.int32).astype(jnp.int32)
    mu_table = jax.random.normal(k_mu, (V_DIM, D_DIM), dtype=jnp.float32)
    sigma_table = jax.random.normal(k_sigma, (V_DIM, 1), dtype=jnp.float32)
    # padding_idx row is zero-initialized in nn.Embedding
    mu_table = mu_table.at[PAD_INDEX].set(0.0)
    sigma_table = sigma_table.at[PAD_INDEX].set(0.0)
    return {"x": x, "mu_table": mu_table, "sigma_table": sigma_table}


def reference(x, mu_table, sigma_table):
    # mu = self.mu(x)
    mu = jnp.take(mu_table, x, axis=0)
    # sigma = F.softplus(self.sigma(x))
    sigma = jax.nn.softplus(jnp.take(sigma_table, x, axis=0))
    return (mu, sigma)

if __name__ == "__main__":
    import jax
    _d = setup_inputs()
    print(jax.jit(kernel)(*tuple(_d.values())))

</pallas_src>

<mosaic_0001>
#map = affine_map<(d0, d1) -> (0, 0)>
#map1 = affine_map<(d0, d1) -> (0)>
#map2 = affine_map<(d0, d1) -> (0, 0, 0)>
module attributes {stable_mosaic.version = 14 : i64} {
  func.func @_sc_body(%arg0: i32, %arg1: i32, %arg2: memref<50x16384xi32, #tpu.memory_space<hbm>>, %arg3: memref<64x1000000xf32, #tpu.memory_space<hbm>>, %arg4: memref<1000000xf32, #tpu.memory_space<hbm>>, %arg5: memref<8192xf32, #tpu.memory_space<hbm>>, %arg6: memref<128xf32, #tpu.memory_space<hbm>>, %arg7: memref<50x64x16384xf32, #tpu.memory_space<hbm>>, %arg8: memref<50x16384xf32, #tpu.memory_space<hbm>>, %arg9: memref<50x1024xi32, #tpu.memory_space<vmem>>, %arg10: memref<8192xf32, #tpu.memory_space<vmem>>, %arg11: memref<1000064xf32, #tpu.memory_space<vmem_shared>>, %arg12: memref<!tpu.dma_semaphore, #tpu.memory_space<semaphore_mem>>, %arg13: memref<!tpu.dma_semaphore, #tpu.memory_space<semaphore_mem>>) attributes {dimension_semantics = [#tpu.dimension_semantics<core_parallel>, #tpu.dimension_semantics<subcore_parallel>], iteration_bounds = array<i64: 2, 16>, scalar_prefetch = 0 : i64, scratch_operands = 5 : i64, tpu.core_type = #tpu.core_type<sc_vector_subcore>, window_params = [{transform_indices = #map}, {transform_indices = #map}, {transform_indices = #map1}, {transform_indices = #map1}, {transform_indices = #map1}, {transform_indices = #map2}, {transform_indices = #map}]} {
    %mul3A = arith.constant 1024 : i32
    %mul3A_0 = arith.muli %arg1, %mul3A : i32
    %mul3A_1 = arith.constant 1024 : i32
    %mul3A_2 = arith.muli %arg1, %mul3A_1 : i32
    "tpu.region"() ({
      %run_scoped3A = tpu.sem_alloc : memref<!tpu.dma_semaphore, #tpu.memory_space<semaphore_mem>>
      %dma_start3A_161 = arith.constant 0 : i32
      %dma_start3A_162 = tpu.memref_slice %arg2[%dma_start3A_161, %mul3A_2] : memref<50x16384xi32, #tpu.memory_space<hbm>> -> memref<50x1024xi32, #tpu.memory_space<hbm>>
      %dma_start3A_163 = arith.constant 0 : i32
      %dma_start3A_164 = tpu.memref_slice %arg2[%dma_start3A_163, %mul3A_2] : memref<50x16384xi32, #tpu.memory_space<hbm>> -> memref<50x1024xi32, #tpu.memory_space<hbm>>
      tpu.enqueue_dma source(%dma_start3A_164 : memref<50x1024xi32, #tpu.memory_space<hbm>>) target(%arg9 : memref<50x1024xi32, #tpu.memory_space<vmem>>) target_semaphore(%run_scoped3A : memref<!tpu.dma_semaphore, #tpu.memory_space<semaphore_mem>>)
      %dma_wait3A = arith.constant 0 : i32
      %dma_wait3A_165 = tpu.memref_slice %arg2[%dma_wait3A, %mul3A_2] : memref<50x16384xi32, #tpu.memory_space<hbm>> -> memref<50x1024xi32, #tpu.memory_space<hbm>>
      %dma_wait3A_166 = arith.constant 0 : i32
      %dma_wait3A_167 = tpu.memref_slice %arg2[%dma_wait3A_166, %mul3A_2] : memref<50x16384xi32, #tpu.memory_space<hbm>> -> memref<50x1024xi32, #tpu.memory_space<hbm>>
      tpu.wait_dma2 semaphore(%run_scoped3A : memref<!tpu.dma_semaphore, #tpu.memory_space<semaphore_mem>>) src(%dma_wait3A_167 : memref<50x1024xi32, #tpu.memory_space<hbm>>) dst(%arg9 : memref<50x1024xi32, #tpu.memory_space<vmem>>)
      tpu.yield
    }) : () -> ()
    %scan3A = arith.constant 0 : i32
    %scan3A_3 = arith.constant 0 : i32
    %scan3A_4 = arith.constant 32 : i32
    %scan3A_5 = arith.addi %scan3A_3, %scan3A_4 : i32
    %scan3A_6 = arith.constant 1 : i32
    scf.for %scan3A_161 = %scan3A_3 to %scan3A_5 step %scan3A_6  : i32 {
      %mul3A_162 = arith.constant 32 : i32
      %mul3A_163 = arith.muli %arg0, %mul3A_162 : i32
      %add3A_164 = arith.addi %mul3A_163, %scan3A_161 : i32
      %eq3A_165 = arith.constant 0 : i32
      %eq3A_166 = arith.cmpi eq, %arg1, %eq3A_165 : i32
      %convert_element_type3A_167 = arith.extui %eq3A_166 : i1 to i32
      %cond3A_168 = arith.constant 0 : i32
      %cond3A_169 = arith.cmpi ne, %convert_element_type3A_167, %cond3A_168 : i32
      scf.if %cond3A_169 {
        "tpu.region"() ({
          %run_scoped3A = tpu.sem_alloc : memref<!tpu.dma_semaphore, #tpu.memory_space<semaphore_mem>>
          %dma_start3A_330 = arith.constant 0 : i32
          %dma_start3A_331 = tpu.memref_slice %arg11[%dma_start3A_330] : memref<1000064xf32, #tpu.memory_space<vmem_shared>> -> memref<62464xf32, #tpu.memory_space<vmem_shared>>
          %dma_start3A_332 = arith.constant 0 : i32
          %dma_start3A_333 = tpu.memref_slice %arg3[%add3A_164, %dma_start3A_332] : memref<64x1000000xf32, #tpu.memory_space<hbm>> -> memref<1x1000000xf32, #tpu.memory_space<hbm>>
          %dma_start3A_334 = tpu.memref_squeeze %dma_start3A_333 : memref<1x1000000xf32, #tpu.memory_space<hbm>> -> memref<1000000xf32, #tpu.memory_space<hbm>>
          %dma_start3A_335 = arith.constant 0 : i32
          %dma_start3A_336 = tpu.memref_slice %dma_start3A_334[%dma_start3A_335] : memref<1000000xf32, #tpu.memory_space<hbm>> -> memref<62464xf32, #tpu.memory_space<hbm>>
          tpu.enqueue_dma source(%dma_start3A_336 : memref<62464xf32, #tpu.memory_space<hbm>>) target(%dma_start3A_331 : memref<62464xf32, #tpu.memory_space<vmem_shared>>) target_semaphore(%run_scoped3A : memref<!tpu.dma_semaphore, #tpu.memory_space<semaphore_mem>>)
          %dma_wait3A = arith.constant 0 : i32
          %dma_wait3A_337 = tpu.memref_slice %arg11[%dma_wait3A] : memref<1000064xf32, #tpu.memory_space<vmem_shared>> -> memref<62464xf32, #tpu.memory_space<vmem_shared>>
          %dma_wait3A_338 = arith.constant 0 : i32
          %dma_wait3A_339 = tpu.memref_slice %arg3[%add3A_164, %dma_wait3A_338] : memref<64x1000000xf32, #tpu.memory_space<hbm>> -> memref<1x1000000xf32, #tpu.memory_space<hbm>>
          %dma_wait3A_340 = tpu.memref_squeeze %dma_wait3A_339 : memref<1x1000000xf32, #tpu.memory_space<hbm>> -> memref<1000000xf32, #tpu.memory_space<hbm>>
          %dma_wait3A_341 = arith.constant 0 : i32
          %dma_wait3A_342 = tpu.memref_slice %dma_wait3A_340[%dma_wait3A_341] : memref<1000000xf32, #tpu.memory_space<hbm>> -> memref<62464xf32, #tpu.memory_space<hbm>>
          tpu.wait_dma2 semaphore(%run_scoped3A : memref<!tpu.dma_semaphore, #tpu.memory_space<semaphore_mem>>) src(%dma_wait3A_342 : memref<62464xf32, #tpu.memory_space<hbm>>) dst(%dma_wait3A_337 : memref<62464xf32, #tpu.memory_space<vmem_shared>>)
          tpu.yield
        }) : () -> ()
      } else {
      }
      %eq3A_170 = arith.constant 1 : i32
      %eq3A_171 = arith.cmpi eq, %arg1, %eq3A_170 : i32
      %convert_element_type3A_172 = arith.extui %eq3A_171 : i1 to i32
      %cond3A_173 = arith.constant 0 : i32
      %cond3A_174 = arith.cmpi ne, %convert_element_type3A_172, %cond3A_173 : i32
      scf.if %cond3A_174 {
        "tpu.region"() ({
          %run_scoped3A = tpu.sem_alloc : memref<!tpu.dma_semaphore, #tpu.memory_space<semaphore_mem>>
          %dma_start3A_330 = arith.constant 62464 : i32
          %dma_start3A_331 = tpu.memref_slice %arg11[%dma_start3A_330] : memref<1000064xf32, #tpu.memory_space<vmem_shared>> -> memref<62464xf32, #tpu.memory_space<vmem_shared>>
          %dma_start3A_332 = arith.constant 0 : i32
          %dma_start3A_333 = tpu.memref_slice %arg3[%add3A_164, %dma_start3A_332] : memref<64x1000000xf32, #tpu.memory_space<hbm>> -> memref<1x1000000xf32, #tpu.memory_space<hbm>>
          %dma_start3A_334 = tpu.memref_squeeze %dma_start3A_333 : memref<1x1000000xf32, #tpu.memory_space<hbm>> -> memref<1000000xf32, #tpu.memory_space<hbm>>
          %dma_start3A_335 = arith.constant 62464 : i32
          %dma_start3A_336 = tpu.memref_slice %dma_start3A_334[%dma_start3A_335] : memref<1000000xf32, #tpu.memory_space<hbm>> -> memref<62464xf32, #tpu.memory_space<hbm>>
          tpu.enqueue_dma source(%dma_start3A_336 : memref<62464xf32, #tpu.memory_space<hbm>>) target(%dma_start3A_331 : memref<62464xf32, #tpu.memory_space<vmem_shared>>) target_semaphore(%run_scoped3A : memref<!tpu.dma_semaphore, #tpu.memory_space<semaphore_mem>>)
          %dma_wait3A = arith.constant 62464 : i32
          %dma_wait3A_337 = tpu.memref_slice %arg11[%dma_wait3A] : memref<1000064xf32, #tpu.memory_space<vmem_shared>> -> memref<62464xf32, #tpu.memory_space<vmem_shared>>
          %dma_wait3A_338 = arith.constant 0 : i32
          %dma_wait3A_339 = tpu.memref_slice %arg3[%add3A_164, %dma_wait3A_338] : memref<64x1000000xf32, #tpu.memory_space<hbm>> -> memref<1x1000000xf32, #tpu.memory_space<hbm>>
          %dma_wait3A_340 = tpu.memref_squeeze %dma_wait3A_339 : memref<1x1000000xf32, #tpu.memory_space<hbm>> -> memref<1000000xf32, #tpu.memory_space<hbm>>
          %dma_wait3A_341 = arith.constant 62464 : i32
          %dma_wait3A_342 = tpu.memref_slice %dma_wait3A_340[%dma_wait3A_341] : memref<1000000xf32, #tpu.memory_space<hbm>> -> memref<62464xf32, #tpu.memory_space<hbm>>
          tpu.wait_dma2 semaphore(%run_scoped3A : memref<!tpu.dma_semaphore, #tpu.memory_space<semaphore_mem>>) src(%dma_wait3A_342 : memref<62464xf32, #tpu.memory_space<hbm>>) dst(%dma_wait3A_337 : memref<62464xf32, #tpu.memory_space<vmem_shared>>)
          tpu.yield
        }) : () -> ()
      } else {
      }
      %eq3A_175 = arith.constant 2 : i32
      %eq3A_176 = arith.cmpi eq, %arg1, %eq3A_175 : i32
      %convert_element_type3A_177 = arith.extui %eq3A_176 : i1 to i32
      %cond3A_178 = arith.constant 0 : i32
      %cond3A_179 = arith.cmpi ne, %convert_element_type3A_177, %cond3A_178 : i32
      scf.if %cond3A_179 {
        "tpu.region"() ({
          %run_scoped3A = tpu.sem_alloc : memref<!tpu.dma_semaphore, #tpu.memory_space<semaphore_mem>>
          %dma_start3A_330 = arith.constant 124928 : i32
          %dma_start3A_331 = tpu.memref_slice %arg11[%dma_start3A_330] : memref<1000064xf32, #tpu.memory_space<vmem_shared>> -> memref<62464xf32, #tpu.memory_space<vmem_shared>>
          %dma_start3A_332 = arith.constant 0 : i32
          %dma_start3A_333 = tpu.memref_slice %arg3[%add3A_164, %dma_start3A_332] : memref<64x1000000xf32, #tpu.memory_space<hbm>> -> memref<1x1000000xf32, #tpu.memory_space<hbm>>
          %dma_start3A_334 = tpu.memref_squeeze %dma_start3A_333 : memref<1x1000000xf32, #tpu.memory_space<hbm>> -> memref<1000000xf32, #tpu.memory_space<hbm>>
          %dma_start3A_335 = arith.constant 124928 : i32
          %dma_start3A_336 = tpu.memref_slice %dma_start3A_334[%dma_start3A_335] : memref<1000000xf32, #tpu.memory_space<hbm>> -> memref<62464xf32, #tpu.memory_space<hbm>>
          tpu.enqueue_dma source(%dma_start3A_336 : memref<62464xf32, #tpu.memory_space<hbm>>) target(%dma_start3A_331 : memref<62464xf32, #tpu.memory_space<vmem_shared>>) target_semaphore(%run_scoped3A : memref<!tpu.dma_semaphore, #tpu.memory_space<semaphore_mem>>)
          %dma_wait3A = arith.constant 124928 : i32
          %dma_wait3A_337 = tpu.memref_slice %arg11[%dma_wait3A] : memref<1000064xf32, #tpu.memory_space<vmem_shared>> -> memref<62464xf32, #tpu.memory_space<vmem_shared>>
          %dma_wait3A_338 = arith.constant 0 : i32
          %dma_wait3A_339 = tpu.memref_slice %arg3[%add3A_164, %dma_wait3A_338] : memref<64x1000000xf32, #tpu.memory_space<hbm>> -> memref<1x1000000xf32, #tpu.memory_space<hbm>>
          %dma_wait3A_340 = tpu.memref_squeeze %dma_wait3A_339 : memref<1x1000000xf32, #tpu.memory_space<hbm>> -> memref<1000000xf32, #tpu.memory_space<hbm>>
          %dma_wait3A_341 = arith.constant 124928 : i32
          %dma_wait3A_342 = tpu.memref_slice %dma_wait3A_340[%dma_wait3A_341] : memref<1000000xf32, #tpu.memory_space<hbm>> -> memref<62464xf32, #tpu.memory_space<hbm>>
          tpu.wait_dma2 semaphore(%run_scoped3A : memref<!tpu.dma_semaphore, #tpu.memory_space<semaphore_mem>>) src(%dma_wait3A_342 : memref<62464xf32, #tpu.memory_space<hbm>>) dst(%dma_wait3A_337 : memref<62464xf32, #tpu.memory_space<vmem_shared>>)
          tpu.yield
        }) : () -> ()
      } else {
      }
      %eq3A_180 = arith.constant 3 : i32
      %eq3A_181 = arith.cmpi eq, %arg1, %eq3A_180 : i32
      %convert_element_type3A_182 = arith.extui %eq3A_181 : i1 to i32
      %cond3A_183 = arith.constant 0 : i32
      %cond3A_184 = arith.cmpi ne, %convert_element_type3A_182, %cond3A_183 : i32
      scf.if %cond3A_184 {
        "tpu.region"() ({
          %run_scoped3A = tpu.sem_alloc : memref<!tpu.dma_semaphore, #tpu.memory_space<semaphore_mem>>
          %dma_start3A_330 = arith.constant 187392 : i32
          %dma_start3A_331 = tpu.memref_slice %arg11[%dma_start3A_330] : memref<1000064xf32, #tpu.memory_space<vmem_shared>> -> memref<62464xf32, #tpu.memory_space<vmem_shared>>
          %dma_start3A_332 = arith.constant 0 : i32
          %dma_start3A_333 = tpu.memref_slice %arg3[%add3A_164, %dma_start3A_332] : memref<64x1000000xf32, #tpu.memory_space<hbm>> -> memref<1x1000000xf32, #tpu.memory_space<hbm>>
          %dma_start3A_334 = tpu.memref_squeeze %dma_start3A_333 : memref<1x1000000xf32, #tpu.memory_space<hbm>> -> memref<1000000xf32, #tpu.memory_space<hbm>>
          %dma_start3A_335 = arith.constant 187392 : i32
          %dma_start3A_336 = tpu.memref_slice %dma_start3A_334[%dma_start3A_335] : memref<1000000xf32, #tpu.memory_space<hbm>> -> memref<62464xf32, #tpu.memory_space<hbm>>
          tpu.enqueue_dma source(%dma_start3A_336 : memref<62464xf32, #tpu.memory_space<hbm>>) target(%dma_start3A_331 : memref<62464xf32, #tpu.memory_space<vmem_shared>>) target_semaphore(%run_scoped3A : memref<!tpu.dma_semaphore, #tpu.memory_space<semaphore_mem>>)
          %dma_wait3A = arith.constant 187392 : i32
          %dma_wait3A_337 = tpu.memref_slice %arg11[%dma_wait3A] : memref<1000064xf32, #tpu.memory_space<vmem_shared>> -> memref<62464xf32, #tpu.memory_space<vmem_shared>>
          %dma_wait3A_338 = arith.constant 0 : i32
          %dma_wait3A_339 = tpu.memref_slice %arg3[%add3A_164, %dma_wait3A_338] : memref<64x1000000xf32, #tpu.memory_space<hbm>> -> memref<1x1000000xf32, #tpu.memory_space<hbm>>
          %dma_wait3A_340 = tpu.memref_squeeze %dma_wait3A_339 : memref<1x1000000xf32, #tpu.memory_space<hbm>> -> memref<1000000xf32, #tpu.memory_space<hbm>>
          %dma_wait3A_341 = arith.constant 187392 : i32
          %dma_wait3A_342 = tpu.memref_slice %dma_wait3A_340[%dma_wait3A_341] : memref<1000000xf32, #tpu.memory_space<hbm>> -> memref<62464xf32, #tpu.memory_space<hbm>>
          tpu.wait_dma2 semaphore(%run_scoped3A : memref<!tpu.dma_semaphore, #tpu.memory_space<semaphore_mem>>) src(%dma_wait3A_342 : memref<62464xf32, #tpu.memory_space<hbm>>) dst(%dma_wait3A_337 : memref<62464xf32, #tpu.memory_space<vmem_shared>>)
          tpu.yield
        }) : () -> ()
      } else {
      }
      %eq3A_185 = arith.constant 4 : i32
      %eq3A_186 = arith.cmpi eq, %arg1, %eq3A_185 : i32
      %convert_element_type3A_187 = arith.extui %eq3A_186 : i1 to i32
      %cond3A_188 = arith.constant 0 : i32
      %cond3A_189 = arith.cmpi ne, %convert_element_type3A_187, %cond3A_188 : i32
      scf.if %cond3A_189 {
        "tpu.region"() ({
          %run_scoped3A = tpu.sem_alloc : memref<!tpu.dma_semaphore, #tpu.memory_space<semaphore_mem>>
          %dma_start3A_330 = arith.constant 249856 : i32
          %dma_start3A_331 = tpu.memref_slice %arg11[%dma_start3A_330] : memref<1000064xf32, #tpu.memory_space<vmem_shared>> -> memref<62464xf32, #tpu.memory_space<vmem_shared>>
          %dma_start3A_332 = arith.constant 0 : i32
          %dma_start3A_333 = tpu.memref_slice %arg3[%add3A_164, %dma_start3A_332] : memref<64x1000000xf32, #tpu.memory_space<hbm>> -> memref<1x1000000xf32, #tpu.memory_space<hbm>>
          %dma_start3A_334 = tpu.memref_squeeze %dma_start3A_333 : memref<1x1000000xf32, #tpu.memory_space<hbm>> -> memref<1000000xf32, #tpu.memory_space<hbm>>
          %dma_start3A_335 = arith.constant 249856 : i32
          %dma_start3A_336 = tpu.memref_slice %dma_start3A_334[%dma_start3A_335] : memref<1000000xf32, #tpu.memory_space<hbm>> -> memref<62464xf32, #tpu.memory_space<hbm>>
          tpu.enqueue_dma source(%dma_start3A_336 : memref<62464xf32, #tpu.memory_space<hbm>>) target(%dma_start3A_331 : memref<62464xf32, #tpu.memory_space<vmem_shared>>) target_semaphore(%run_scoped3A : memref<!tpu.dma_semaphore, #tpu.memory_space<semaphore_mem>>)
          %dma_wait3A = arith.constant 249856 : i32
          %dma_wait3A_337 = tpu.memref_slice %arg11[%dma_wait3A] : memref<1000064xf32, #tpu.memory_space<vmem_shared>> -> memref<62464xf32, #tpu.memory_space<vmem_shared>>
          %dma_wait3A_338 = arith.constant 0 : i32
          %dma_wait3A_339 = tpu.memref_slice %arg3[%add3A_164, %dma_wait3A_338] : memref<64x1000000xf32, #tpu.memory_space<hbm>> -> memref<1x1000000xf32, #tpu.memory_space<hbm>>
          %dma_wait3A_340 = tpu.memref_squeeze %dma_wait3A_339 : memref<1x1000000xf32, #tpu.memory_space<hbm>> -> memref<1000000xf32, #tpu.memory_space<hbm>>
          %dma_wait3A_341 = arith.constant 249856 : i32
          %dma_wait3A_342 = tpu.memref_slice %dma_wait3A_340[%dma_wait3A_341] : memref<1000000xf32, #tpu.memory_space<hbm>> -> memref<62464xf32, #tpu.memory_space<hbm>>
          tpu.wait_dma2 semaphore(%run_scoped3A : memref<!tpu.dma_semaphore, #tpu.memory_space<semaphore_mem>>) src(%dma_wait3A_342 : memref<62464xf32, #tpu.memory_space<hbm>>) dst(%dma_wait3A_337 : memref<62464xf32, #tpu.memory_space<vmem_shared>>)
          tpu.yield
        }) : () -> ()
      } else {
      }
      %eq3A_190 = arith.constant 5 : i32
      %eq3A_191 = arith.cmpi eq, %arg1, %eq3A_190 : i32
      %convert_element_type3A_192 = arith.extui %eq3A_191 : i1 to i32
      %cond3A_193 = arith.constant 0 : i32
      %cond3A_194 = arith.cmpi ne, %convert_element_type3A_192, %cond3A_193 : i32
      scf.if %cond3A_194 {
        "tpu.region"() ({
          %run_scoped3A = tpu.sem_alloc : memref<!tpu.dma_semaphore, #tpu.memory_space<semaphore_mem>>
          %dma_start3A_330 = arith.constant 312320 : i32
          %dma_start3A_331 = tpu.memref_slice %arg11[%dma_start3A_330] : memref<1000064xf32, #tpu.memory_space<vmem_shared>> -> memref<62464xf32, #tpu.memory_space<vmem_shared>>
          %dma_start3A_332 = arith.constant 0 : i32
          %dma_start3A_333 = tpu.memref_slice %arg3[%add3A_164, %dma_start3A_332] : memref<64x1000000xf32, #tpu.memory_space<hbm>> -> memref<1x1000000xf32, #tpu.memory_space<hbm>>
          %dma_start3A_334 = tpu.memref_squeeze %dma_start3A_333 : memref<1x1000000xf32, #tpu.memory_space<hbm>> -> memref<1000000xf32, #tpu.memory_space<hbm>>
          %dma_start3A_335 = arith.constant 312320 : i32
          %dma_start3A_336 = tpu.memref_slice %dma_start3A_334[%dma_start3A_335] : memref<1000000xf32, #tpu.memory_space<hbm>> -> memref<62464xf32, #tpu.memory_space<hbm>>
          tpu.enqueue_dma source(%dma_start3A_336 : memref<62464xf32, #tpu.memory_space<hbm>>) target(%dma_start3A_331 : memref<62464xf32, #tpu.memory_space<vmem_shared>>) target_semaphore(%run_scoped3A : memref<!tpu.dma_semaphore, #tpu.memory_space<semaphore_mem>>)
          %dma_wait3A = arith.constant 312320 : i32
          %dma_wait3A_337 = tpu.memref_slice %arg11[%dma_wait3A] : memref<1000064xf32, #tpu.memory_space<vmem_shared>> -> memref<62464xf32, #tpu.memory_space<vmem_shared>>
          %dma_wait3A_338 = arith.constant 0 : i32
          %dma_wait3A_339 = tpu.memref_slice %arg3[%add3A_164, %dma_wait3A_338] : memref<64x1000000xf32, #tpu.memory_space<hbm>> -> memref<1x1000000xf32, #tpu.memory_space<hbm>>
          %dma_wait3A_340 = tpu.memref_squeeze %dma_wait3A_339 : memref<1x1000000xf32, #tpu.memory_space<hbm>> -> memref<1000000xf32, #tpu.memory_space<hbm>>
          %dma_wait3A_341 = arith.constant 312320 : i32
          %dma_wait3A_342 = tpu.memref_slice %dma_wait3A_340[%dma_wait3A_341] : memref<1000000xf32, #tpu.memory_space<hbm>> -> memref<62464xf32, #tpu.memory_space<hbm>>
          tpu.wait_dma2 semaphore(%run_scoped3A : memref<!tpu.dma_semaphore, #tpu.memory_space<semaphore_mem>>) src(%dma_wait3A_342 : memref<62464xf32, #tpu.memory_space<hbm>>) dst(%dma_wait3A_337 : memref<62464xf32, #tpu.memory_space<vmem_shared>>)
          tpu.yield
        }) : () -> ()
      } else {
      }
      %eq3A_195 = arith.constant 6 : i32
      %eq3A_196 = arith.cmpi eq, %arg1, %eq3A_195 : i32
      %convert_element_type3A_197 = arith.extui %eq3A_196 : i1 to i32
      %cond3A_198 = arith.constant 0 : i32
      %cond3A_199 = arith.cmpi ne, %convert_element_type3A_197, %cond3A_198 : i32
      scf.if %cond3A_199 {
        "tpu.region"() ({
          %run_scoped3A = tpu.sem_alloc : memref<!tpu.dma_semaphore, #tpu.memory_space<semaphore_mem>>
          %dma_start3A_330 = arith.constant 374784 : i32
          %dma_start3A_331 = tpu.memref_slice %arg11[%dma_start3A_330] : memref<1000064xf32, #tpu.memory_space<vmem_shared>> -> memref<62464xf32, #tpu.memory_space<vmem_shared>>
          %dma_start3A_332 = arith.constant 0 : i32
          %dma_start3A_333 = tpu.memref_slice %arg3[%add3A_164, %dma_start3A_332] : memref<64x1000000xf32, #tpu.memory_space<hbm>> -> memref<1x1000000xf32, #tpu.memory_space<hbm>>
          %dma_start3A_334 = tpu.memref_squeeze %dma_start3A_333 : memref<1x1000000xf32, #tpu.memory_space<hbm>> -> memref<1000000xf32, #tpu.memory_space<hbm>>
          %dma_start3A_335 = arith.constant 374784 : i32
          %dma_start3A_336 = tpu.memref_slice %dma_start3A_334[%dma_start3A_335] : memref<1000000xf32, #tpu.memory_space<hbm>> -> memref<62464xf32, #tpu.memory_space<hbm>>
          tpu.enqueue_dma source(%dma_start3A_336 : memref<62464xf32, #tpu.memory_space<hbm>>) target(%dma_start3A_331 : memref<62464xf32, #tpu.memory_space<vmem_shared>>) target_semaphore(%run_scoped3A : memref<!tpu.dma_semaphore, #tpu.memory_space<semaphore_mem>>)
          %dma_wait3A = arith.constant 374784 : i32
          %dma_wait3A_337 = tpu.memref_slice %arg11[%dma_wait3A] : memref<1000064xf32, #tpu.memory_space<vmem_shared>> -> memref<62464xf32, #tpu.memory_space<vmem_shared>>
          %dma_wait3A_338 = arith.constant 0 : i32
          %dma_wait3A_339 = tpu.memref_slice %arg3[%add3A_164, %dma_wait3A_338] : memref<64x1000000xf32, #tpu.memory_space<hbm>> -> memref<1x1000000xf32, #tpu.memory_space<hbm>>
          %dma_wait3A_340 = tpu.memref_squeeze %dma_wait3A_339 : memref<1x1000000xf32, #tpu.memory_space<hbm>> -> memref<1000000xf32, #tpu.memory_space<hbm>>
          %dma_wait3A_341 = arith.constant 374784 : i32
          %dma_wait3A_342 = tpu.memref_slice %dma_wait3A_340[%dma_wait3A_341] : memref<1000000xf32, #tpu.memory_space<hbm>> -> memref<62464xf32, #tpu.memory_space<hbm>>
          tpu.wait_dma2 semaphore(%run_scoped3A : memref<!tpu.dma_semaphore, #tpu.memory_space<semaphore_mem>>) src(%dma_wait3A_342 : memref<62464xf32, #tpu.memory_space<hbm>>) dst(%dma_wait3A_337 : memref<62464xf32, #tpu.memory_space<vmem_shared>>)
          tpu.yield
        }) : () -> ()
      } else {
      }
      %eq3A_200 = arith.constant 7 : i32
      %eq3A_201 = arith.cmpi eq, %arg1, %eq3A_200 : i32
      %convert_element_type3A_202 = arith.extui %eq3A_201 : i1 to i32
      %cond3A_203 = arith.constant 0 : i32
      %cond3A_204 = arith.cmpi ne, %convert_element_type3A_202, %cond3A_203 : i32
      scf.if %cond3A_204 {
        "tpu.region"() ({
          %run_scoped3A = tpu.sem_alloc : memref<!tpu.dma_semaphore, #tpu.memory_space<semaphore_mem>>
          %dma_start3A_330 = arith.constant 437248 : i32
          %dma_start3A_331 = tpu.memref_slice %arg11[%dma_start3A_330] : memref<1000064xf32, #tpu.memory_space<vmem_shared>> -> memref<62464xf32, #tpu.memory_space<vmem_shared>>
          %dma_start3A_332 = arith.constant 0 : i32
          %dma_start3A_333 = tpu.memref_slice %arg3[%add3A_164, %dma_start3A_332] : memref<64x1000000xf32, #tpu.memory_space<hbm>> -> memref<1x1000000xf32, #tpu.memory_space<hbm>>
          %dma_start3A_334 = tpu.memref_squeeze %dma_start3A_333 : memref<1x1000000xf32, #tpu.memory_space<hbm>> -> memref<1000000xf32, #tpu.memory_space<hbm>>
          %dma_start3A_335 = arith.constant 437248 : i32
          %dma_start3A_336 = tpu.memref_slice %dma_start3A_334[%dma_start3A_335] : memref<1000000xf32, #tpu.memory_space<hbm>> -> memref<62464xf32, #tpu.memory_space<hbm>>
          tpu.enqueue_dma source(%dma_start3A_336 : memref<62464xf32, #tpu.memory_space<hbm>>) target(%dma_start3A_331 : memref<62464xf32, #tpu.memory_space<vmem_shared>>) target_semaphore(%run_scoped3A : memref<!tpu.dma_semaphore, #tpu.memory_space<semaphore_mem>>)
          %dma_wait3A = arith.constant 437248 : i32
          %dma_wait3A_337 = tpu.memref_slice %arg11[%dma_wait3A] : memref<1000064xf32, #tpu.memory_space<vmem_shared>> -> memref<62464xf32, #tpu.memory_space<vmem_shared>>
          %dma_wait3A_338 = arith.constant 0 : i32
          %dma_wait3A_339 = tpu.memref_slice %arg3[%add3A_164, %dma_wait3A_338] : memref<64x1000000xf32, #tpu.memory_space<hbm>> -> memref<1x1000000xf32, #tpu.memory_space<hbm>>
          %dma_wait3A_340 = tpu.memref_squeeze %dma_wait3A_339 : memref<1x1000000xf32, #tpu.memory_space<hbm>> -> memref<1000000xf32, #tpu.memory_space<hbm>>
          %dma_wait3A_341 = arith.constant 437248 : i32
          %dma_wait3A_342 = tpu.memref_slice %dma_wait3A_340[%dma_wait3A_341] : memref<1000000xf32, #tpu.memory_space<hbm>> -> memref<62464xf32, #tpu.memory_space<hbm>>
          tpu.wait_dma2 semaphore(%run_scoped3A : memref<!tpu.dma_semaphore, #tpu.memory_space<semaphore_mem>>) src(%dma_wait3A_342 : memref<62464xf32, #tpu.memory_space<hbm>>) dst(%dma_wait3A_337 : memref<62464xf32, #tpu.memory_space<vmem_shared>>)
          tpu.yield
        }) : () -> ()
      } else {
      }
      %eq3A_205 = arith.constant 8 : i32
      %eq3A_206 = arith.cmpi eq, %arg1, %eq3A_205 : i32
      %convert_element_type3A_207 = arith.extui %eq3A_206 : i1 to i32
      %cond3A_208 = arith.constant 0 : i32
      %cond3A_209 = arith.cmpi ne, %convert_element_type3A_207, %cond3A_208 : i32
      scf.if %cond3A_209 {
        "tpu.region"() ({
          %run_scoped3A = tpu.sem_alloc : memref<!tpu.dma_semaphore, #tpu.memory_space<semaphore_mem>>
          %dma_start3A_330 = arith.constant 499712 : i32
          %dma_start3A_331 = tpu.memref_slice %arg11[%dma_start3A_330] : memref<1000064xf32, #tpu.memory_space<vmem_shared>> -> memref<62464xf32, #tpu.memory_space<vmem_shared>>
          %dma_start3A_332 = arith.constant 0 : i32
          %dma_start3A_333 = tpu.memref_slice %arg3[%add3A_164, %dma_start3A_332] : memref<64x1000000xf32, #tpu.memory_space<hbm>> -> memref<1x1000000xf32, #tpu.memory_space<hbm>>
          %dma_start3A_334 = tpu.memref_squeeze %dma_start3A_333 : memref<1x1000000xf32, #tpu.memory_space<hbm>> -> memref<1000000xf32, #tpu.memory_space<hbm>>
          %dma_start3A_335 = arith.constant 499712 : i32
          %dma_start3A_336 = tpu.memref_slice %dma_start3A_334[%dma_start3A_335] : memref<1000000xf32, #tpu.memory_space<hbm>> -> memref<62464xf32, #tpu.memory_space<hbm>>
          tpu.enqueue_dma source(%dma_start3A_336 : memref<62464xf32, #tpu.memory_space<hbm>>) target(%dma_start3A_331 : memref<62464xf32, #tpu.memory_space<vmem_shared>>) target_semaphore(%run_scoped3A : memref<!tpu.dma_semaphore, #tpu.memory_space<semaphore_mem>>)
          %dma_wait3A = arith.constant 499712 : i32
          %dma_wait3A_337 = tpu.memref_slice %arg11[%dma_wait3A] : memref<1000064xf32, #tpu.memory_space<vmem_shared>> -> memref<62464xf32, #tpu.memory_space<vmem_shared>>
          %dma_wait3A_338 = arith.constant 0 : i32
          %dma_wait3A_339 = tpu.memref_slice %arg3[%add3A_164, %dma_wait3A_338] : memref<64x1000000xf32, #tpu.memory_space<hbm>> -> memref<1x1000000xf32, #tpu.memory_space<hbm>>
          %dma_wait3A_340 = tpu.memref_squeeze %dma_wait3A_339 : memref<1x1000000xf32, #tpu.memory_space<hbm>> -> memref<1000000xf32, #tpu.memory_space<hbm>>
          %dma_wait3A_341 = arith.constant 499712 : i32
          %dma_wait3A_342 = tpu.memref_slice %dma_wait3A_340[%dma_wait3A_341] : memref<1000000xf32, #tpu.memory_space<hbm>> -> memref<62464xf32, #tpu.memory_space<hbm>>
          tpu.wait_dma2 semaphore(%run_scoped3A : memref<!tpu.dma_semaphore, #tpu.memory_space<semaphore_mem>>) src(%dma_wait3A_342 : memref<62464xf32, #tpu.memory_space<hbm>>) dst(%dma_wait3A_337 : memref<62464xf32, #tpu.memory_space<vmem_shared>>)
          tpu.yield
        }) : () -> ()
      } else {
      }
      %eq3A_210 = arith.constant 9 : i32
      %eq3A_211 = arith.cmpi eq, %arg1, %eq3A_210 : i32
      %convert_element_type3A_212 = arith.extui %eq3A_211 : i1 to i32
      %cond3A_213 = arith.constant 0 : i32
      %cond3A_214 = arith.cmpi ne, %convert_element_type3A_212, %cond3A_213 : i32
      scf.if %cond3A_214 {
        "tpu.region"() ({
          %run_scoped3A = tpu.sem_alloc : memref<!tpu.dma_semaphore, #tpu.memory_space<semaphore_mem>>
          %dma_start3A_330 = arith.constant 562176 : i32
          %dma_start3A_331 = tpu.memref_slice %arg11[%dma_start3A_330] : memref<1000064xf32, #tpu.memory_space<vmem_shared>> -> memref<62464xf32, #tpu.memory_space<vmem_shared>>
          %dma_start3A_332 = arith.constant 0 : i32
          %dma_start3A_333 = tpu.memref_slice %arg3[%add3A_164, %dma_start3A_332] : memref<64x1000000xf32, #tpu.memory_space<hbm>> -> memref<1x1000000xf32, #tpu.memory_space<hbm>>
          %dma_start3A_334 = tpu.memref_squeeze %dma_start3A_333 : memref<1x1000000xf32, #tpu.memory_space<hbm>> -> memref<1000000xf32, #tpu.memory_space<hbm>>
          %dma_start3A_335 = arith.constant 562176 : i32
          %dma_start3A_336 = tpu.memref_slice %dma_start3A_334[%dma_start3A_335] : memref<1000000xf32, #tpu.memory_space<hbm>> -> memref<62464xf32, #tpu.memory_space<hbm>>
          tpu.enqueue_dma source(%dma_start3A_336 : memref<62464xf32, #tpu.memory_space<hbm>>) target(%dma_start3A_331 : memref<62464xf32, #tpu.memory_space<vmem_shared>>) target_semaphore(%run_scoped3A : memref<!tpu.dma_semaphore, #tpu.memory_space<semaphore_mem>>)
          %dma_wait3A = arith.constant 562176 : i32
          %dma_wait3A_337 = tpu.memref_slice %arg11[%dma_wait3A] : memref<1000064xf32, #tpu.memory_space<vmem_shared>> -> memref<62464xf32, #tpu.memory_space<vmem_shared>>
          %dma_wait3A_338 = arith.constant 0 : i32
          %dma_wait3A_339 = tpu.memref_slice %arg3[%add3A_164, %dma_wait3A_338] : memref<64x1000000xf32, #tpu.memory_space<hbm>> -> memref<1x1000000xf32, #tpu.memory_space<hbm>>
          %dma_wait3A_340 = tpu.memref_squeeze %dma_wait3A_339 : memref<1x1000000xf32, #tpu.memory_space<hbm>> -> memref<1000000xf32, #tpu.memory_space<hbm>>
          %dma_wait3A_341 = arith.constant 562176 : i32
          %dma_wait3A_342 = tpu.memref_slice %dma_wait3A_340[%dma_wait3A_341] : memref<1000000xf32, #tpu.memory_space<hbm>> -> memref<62464xf32, #tpu.memory_space<hbm>>
          tpu.wait_dma2 semaphore(%run_scoped3A : memref<!tpu.dma_semaphore, #tpu.memory_space<semaphore_mem>>) src(%dma_wait3A_342 : memref<62464xf32, #tpu.memory_space<hbm>>) dst(%dma_wait3A_337 : memref<62464xf32, #tpu.memory_space<vmem_shared>>)
          tpu.yield
        }) : () -> ()
      } else {
      }
      %eq3A_215 = arith.constant 10 : i32
      %eq3A_216 = arith.cmpi eq, %arg1, %eq3A_215 : i32
      %convert_element_type3A_217 = arith.extui %eq3A_216 : i1 to i32
      %cond3A_218 = arith.constant 0 : i32
      %cond3A_219 = arith.cmpi ne, %convert_element_type3A_217, %cond3A_218 : i32
      scf.if %cond3A_219 {
        "tpu.region"() ({
          %run_scoped3A = tpu.sem_alloc : memref<!tpu.dma_semaphore, #tpu.memory_space<semaphore_mem>>
          %dma_start3A_330 = arith.constant 624640 : i32
          %dma_start3A_331 = tpu.memref_slice %arg11[%dma_start3A_330] : memref<1000064xf32, #tpu.memory_space<vmem_shared>> -> memref<62464xf32, #tpu.memory_space<vmem_shared>>
          %dma_start3A_332 = arith.constant 0 : i32
          %dma_start3A_333 = tpu.memref_slice %arg3[%add3A_164, %dma_start3A_332] : memref<64x1000000xf32, #tpu.memory_space<hbm>> -> memref<1x1000000xf32, #tpu.memory_space<hbm>>
          %dma_start3A_334 = tpu.memref_squeeze %dma_start3A_333 : memref<1x1000000xf32, #tpu.memory_space<hbm>> -> memref<1000000xf32, #tpu.memory_space<hbm>>
          %dma_start3A_335 = arith.constant 624640 : i32
          %dma_start3A_336 = tpu.memref_slice %dma_start3A_334[%dma_start3A_335] : memref<1000000xf32, #tpu.memory_space<hbm>> -> memref<62464xf32, #tpu.memory_space<hbm>>
          tpu.enqueue_dma source(%dma_start3A_336 : memref<62464xf32, #tpu.memory_space<hbm>>) target(%dma_start3A_331 : memref<62464xf32, #tpu.memory_space<vmem_shared>>) target_semaphore(%run_scoped3A : memref<!tpu.dma_semaphore, #tpu.memory_space<semaphore_mem>>)
          %dma_wait3A = arith.constant 624640 : i32
          %dma_wait3A_337 = tpu.memref_slice %arg11[%dma_wait3A] : memref<1000064xf32, #tpu.memory_space<vmem_shared>> -> memref<62464xf32, #tpu.memory_space<vmem_shared>>
          %dma_wait3A_338 = arith.constant 0 : i32
          %dma_wait3A_339 = tpu.memref_slice %arg3[%add3A_164, %dma_wait3A_338] : memref<64x1000000xf32, #tpu.memory_space<hbm>> -> memref<1x1000000xf32, #tpu.memory_space<hbm>>
          %dma_wait3A_340 = tpu.memref_squeeze %dma_wait3A_339 : memref<1x1000000xf32, #tpu.memory_space<hbm>> -> memref<1000000xf32, #tpu.memory_space<hbm>>
          %dma_wait3A_341 = arith.constant 624640 : i32
          %dma_wait3A_342 = tpu.memref_slice %dma_wait3A_340[%dma_wait3A_341] : memref<1000000xf32, #tpu.memory_space<hbm>> -> memref<62464xf32, #tpu.memory_space<hbm>>
          tpu.wait_dma2 semaphore(%run_scoped3A : memref<!tpu.dma_semaphore, #tpu.memory_space<semaphore_mem>>) src(%dma_wait3A_342 : memref<62464xf32, #tpu.memory_space<hbm>>) dst(%dma_wait3A_337 : memref<62464xf32, #tpu.memory_space<vmem_shared>>)
          tpu.yield
        }) : () -> ()
      } else {
      }
      %eq3A_220 = arith.constant 11 : i32
      %eq3A_221 = arith.cmpi eq, %arg1, %eq3A_220 : i32
      %convert_element_type3A_222 = arith.extui %eq3A_221 : i1 to i32
      %cond3A_223 = arith.constant 0 : i32
      %cond3A_224 = arith.cmpi ne, %convert_element_type3A_222, %cond3A_223 : i32
      scf.if %cond3A_224 {
        "tpu.region"() ({
          %run_scoped3A = tpu.sem_alloc : memref<!tpu.dma_semaphore, #tpu.memory_space<semaphore_mem>>
          %dma_start3A_330 = arith.constant 687104 : i32
          %dma_start3A_331 = tpu.memref_slice %arg11[%dma_start3A_330] : memref<1000064xf32, #tpu.memory_space<vmem_shared>> -> memref<62464xf32, #tpu.memory_space<vmem_shared>>
          %dma_start3A_332 = arith.constant 0 : i32
          %dma_start3A_333 = tpu.memref_slice %arg3[%add3A_164, %dma_start3A_332] : memref<64x1000000xf32, #tpu.memory_space<hbm>> -> memref<1x1000000xf32, #tpu.memory_space<hbm>>
          %dma_start3A_334 = tpu.memref_squeeze %dma_start3A_333 : memref<1x1000000xf32, #tpu.memory_space<hbm>> -> memref<1000000xf32, #tpu.memory_space<hbm>>
          %dma_start3A_335 = arith.constant 687104 : i32
          %dma_start3A_336 = tpu.memref_slice %dma_start3A_334[%dma_start3A_335] : memref<1000000xf32, #tpu.memory_space<hbm>> -> memref<62464xf32, #tpu.memory_space<hbm>>
          tpu.enqueue_dma source(%dma_start3A_336 : memref<62464xf32, #tpu.memory_space<hbm>>) target(%dma_start3A_331 : memref<62464xf32, #tpu.memory_space<vmem_shared>>) target_semaphore(%run_scoped3A : memref<!tpu.dma_semaphore, #tpu.memory_space<semaphore_mem>>)
          %dma_wait3A = arith.constant 687104 : i32
          %dma_wait3A_337 = tpu.memref_slice %arg11[%dma_wait3A] : memref<1000064xf32, #tpu.memory_space<vmem_shared>> -> memref<62464xf32, #tpu.memory_space<vmem_shared>>
          %dma_wait3A_338 = arith.constant 0 : i32
          %dma_wait3A_339 = tpu.memref_slice %arg3[%add3A_164, %dma_wait3A_338] : memref<64x1000000xf32, #tpu.memory_space<hbm>> -> memref<1x1000000xf32, #tpu.memory_space<hbm>>
          %dma_wait3A_340 = tpu.memref_squeeze %dma_wait3A_339 : memref<1x1000000xf32, #tpu.memory_space<hbm>> -> memref<1000000xf32, #tpu.memory_space<hbm>>
          %dma_wait3A_341 = arith.constant 687104 : i32
          %dma_wait3A_342 = tpu.memref_slice %dma_wait3A_340[%dma_wait3A_341] : memref<1000000xf32, #tpu.memory_space<hbm>> -> memref<62464xf32, #tpu.memory_space<hbm>>
          tpu.wait_dma2 semaphore(%run_scoped3A : memref<!tpu.dma_semaphore, #tpu.memory_space<semaphore_mem>>) src(%dma_wait3A_342 : memref<62464xf32, #tpu.memory_space<hbm>>) dst(%dma_wait3A_337 : memref<62464xf32, #tpu.memory_space<vmem_shared>>)
          tpu.yield
        }) : () -> ()
      } else {
      }
      %eq3A_225 = arith.constant 12 : i32
      %eq3A_226 = arith.cmpi eq, %arg1, %eq3A_225 : i32
      %convert_element_type3A_227 = arith.extui %eq3A_226 : i1 to i32
      %cond3A_228 = arith.constant 0 : i32
      %cond3A_229 = arith.cmpi ne, %convert_element_type3A_227, %cond3A_228 : i32
      scf.if %cond3A_229 {
        "tpu.region"() ({
          %run_scoped3A = tpu.sem_alloc : memref<!tpu.dma_semaphore, #tpu.memory_space<semaphore_mem>>
          %dma_start3A_330 = arith.constant 749568 : i32
          %dma_start3A_331 = tpu.memref_slice %arg11[%dma_start3A_330] : memref<1000064xf32, #tpu.memory_space<vmem_shared>> -> memref<62592xf32, #tpu.memory_space<vmem_shared>>
          %dma_start3A_332 = arith.constant 0 : i32
          %dma_start3A_333 = tpu.memref_slice %arg3[%add3A_164, %dma_start3A_332] : memref<64x1000000xf32, #tpu.memory_space<hbm>> -> memref<1x1000000xf32, #tpu.memory_space<hbm>>
          %dma_start3A_334 = tpu.memref_squeeze %dma_start3A_333 : memref<1x1000000xf32, #tpu.memory_space<hbm>> -> memref<1000000xf32, #tpu.memory_space<hbm>>
          %dma_start3A_335 = arith.constant 749568 : i32
          %dma_start3A_336 = tpu.memref_slice %dma_start3A_334[%dma_start3A_335] : memref<1000000xf32, #tpu.memory_space<hbm>> -> memref<62592xf32, #tpu.memory_space<hbm>>
          tpu.enqueue_dma source(%dma_start3A_336 : memref<62592xf32, #tpu.memory_space<hbm>>) target(%dma_start3A_331 : memref<62592xf32, #tpu.memory_space<vmem_shared>>) target_semaphore(%run_scoped3A : memref<!tpu.dma_semaphore, #tpu.memory_space<semaphore_mem>>)
          %dma_wait3A = arith.constant 749568 : i32
          %dma_wait3A_337 = tpu.memref_slice %arg11[%dma_wait3A] : memref<1000064xf32, #tpu.memory_space<vmem_shared>> -> memref<62592xf32, #tpu.memory_space<vmem_shared>>
          %dma_wait3A_338 = arith.constant 0 : i32
          %dma_wait3A_339 = tpu.memref_slice %arg3[%add3A_164, %dma_wait3A_338] : memref<64x1000000xf32, #tpu.memory_space<hbm>> -> memref<1x1000000xf32, #tpu.memory_space<hbm>>
          %dma_wait3A_340 = tpu.memref_squeeze %dma_wait3A_339 : memref<1x1000000xf32, #tpu.memory_space<hbm>> -> memref<1000000xf32, #tpu.memory_space<hbm>>
          %dma_wait3A_341 = arith.constant 749568 : i32
          %dma_wait3A_342 = tpu.memref_slice %dma_wait3A_340[%dma_wait3A_341] : memref<1000000xf32, #tpu.memory_space<hbm>> -> memref<62592xf32, #tpu.memory_space<hbm>>
          tpu.wait_dma2 semaphore(%run_scoped3A : memref<!tpu.dma_semaphore, #tpu.memory_space<semaphore_mem>>) src(%dma_wait3A_342 : memref<62592xf32, #tpu.memory_space<hbm>>) dst(%dma_wait3A_337 : memref<62592xf32, #tpu.memory_space<vmem_shared>>)
          tpu.yield
        }) : () -> ()
      } else {
      }
      %eq3A_230 = arith.constant 13 : i32
      %eq3A_231 = arith.cmpi eq, %arg1, %eq3A_230 : i32
      %convert_element_type3A_232 = arith.extui %eq3A_231 : i1 to i32
      %cond3A_233 = arith.constant 0 : i32
      %cond3A_234 = arith.cmpi ne, %convert_element_type3A_232, %cond3A_233 : i32
      scf.if %cond3A_234 {
        "tpu.region"() ({
          %run_scoped3A = tpu.sem_alloc : memref<!tpu.dma_semaphore, #tpu.memory_space<semaphore_mem>>
          %dma_start3A_330 = arith.constant 812160 : i32
          %dma_start3A_331 = tpu.memref_slice %arg11[%dma_start3A_330] : memref<1000064xf32, #tpu.memory_space<vmem_shared>> -> memref<62592xf32, #tpu.memory_space<vmem_shared>>
          %dma_start3A_332 = arith.constant 0 : i32
          %dma_start3A_333 = tpu.memref_slice %arg3[%add3A_164, %dma_start3A_332] : memref<64x1000000xf32, #tpu.memory_space<hbm>> -> memref<1x1000000xf32, #tpu.memory_space<hbm>>
          %dma_start3A_334 = tpu.memref_squeeze %dma_start3A_333 : memref<1x1000000xf32, #tpu.memory_space<hbm>> -> memref<1000000xf32, #tpu.memory_space<hbm>>
          %dma_start3A_335 = arith.constant 812160 : i32
          %dma_start3A_336 = tpu.memref_slice %dma_start3A_334[%dma_start3A_335] : memref<1000000xf32, #tpu.memory_space<hbm>> -> memref<62592xf32, #tpu.memory_space<hbm>>
          tpu.enqueue_dma source(%dma_start3A_336 : memref<62592xf32, #tpu.memory_space<hbm>>) target(%dma_start3A_331 : memref<62592xf32, #tpu.memory_space<vmem_shared>>) target_semaphore(%run_scoped3A : memref<!tpu.dma_semaphore, #tpu.memory_space<semaphore_mem>>)
          %dma_wait3A = arith.constant 812160 : i32
          %dma_wait3A_337 = tpu.memref_slice %arg11[%dma_wait3A] : memref<1000064xf32, #tpu.memory_space<vmem_shared>> -> memref<62592xf32, #tpu.memory_space<vmem_shared>>
          %dma_wait3A_338 = arith.constant 0 : i32
          %dma_wait3A_339 = tpu.memref_slice %arg3[%add3A_164, %dma_wait3A_338] : memref<64x1000000xf32, #tpu.memory_space<hbm>> -> memref<1x1000000xf32, #tpu.memory_space<hbm>>
          %dma_wait3A_340 = tpu.memref_squeeze %dma_wait3A_339 : memref<1x1000000xf32, #tpu.memory_space<hbm>> -> memref<1000000xf32, #tpu.memory_space<hbm>>
          %dma_wait3A_341 = arith.constant 812160 : i32
          %dma_wait3A_342 = tpu.memref_slice %dma_wait3A_340[%dma_wait3A_341] : memref<1000000xf32, #tpu.memory_space<hbm>> -> memref<62592xf32, #tpu.memory_space<hbm>>
          tpu.wait_dma2 semaphore(%run_scoped3A : memref<!tpu.dma_semaphore, #tpu.memory_space<semaphore_mem>>) src(%dma_wait3A_342 : memref<62592xf32, #tpu.memory_space<hbm>>) dst(%dma_wait3A_337 : memref<62592xf32, #tpu.memory_space<vmem_shared>>)
          tpu.yield
        }) : () -> ()
      } else {
      }
      %eq3A_235 = arith.constant 14 : i32
      %eq3A_236 = arith.cmpi eq, %arg1, %eq3A_235 : i32
      %convert_element_type3A_237 = arith.extui %eq3A_236 : i1 to i32
      %cond3A_238 = arith.constant 0 : i32
      %cond3A_239 = arith.cmpi ne, %convert_element_type3A_237, %cond3A_238 : i32
      scf.if %cond3A_239 {
        "tpu.region"() ({
          %run_scoped3A = tpu.sem_alloc : memref<!tpu.dma_semaphore, #tpu.memory_space<semaphore_mem>>
          %dma_start3A_330 = arith.constant 874752 : i32
          %dma_start3A_331 = tpu.memref_slice %arg11[%dma_start3A_330] : memref<1000064xf32, #tpu.memory_space<vmem_shared>> -> memref<62592xf32, #tpu.memory_space<vmem_shared>>
          %dma_start3A_332 = arith.constant 0 : i32
          %dma_start3A_333 = tpu.memref_slice %arg3[%add3A_164, %dma_start3A_332] : memref<64x1000000xf32, #tpu.memory_space<hbm>> -> memref<1x1000000xf32, #tpu.memory_space<hbm>>
          %dma_start3A_334 = tpu.memref_squeeze %dma_start3A_333 : memref<1x1000000xf32, #tpu.memory_space<hbm>> -> memref<1000000xf32, #tpu.memory_space<hbm>>
          %dma_start3A_335 = arith.constant 874752 : i32
          %dma_start3A_336 = tpu.memref_slice %dma_start3A_334[%dma_start3A_335] : memref<1000000xf32, #tpu.memory_space<hbm>> -> memref<62592xf32, #tpu.memory_space<hbm>>
          tpu.enqueue_dma source(%dma_start3A_336 : memref<62592xf32, #tpu.memory_space<hbm>>) target(%dma_start3A_331 : memref<62592xf32, #tpu.memory_space<vmem_shared>>) target_semaphore(%run_scoped3A : memref<!tpu.dma_semaphore, #tpu.memory_space<semaphore_mem>>)
          %dma_wait3A = arith.constant 874752 : i32
          %dma_wait3A_337 = tpu.memref_slice %arg11[%dma_wait3A] : memref<1000064xf32, #tpu.memory_space<vmem_shared>> -> memref<62592xf32, #tpu.memory_space<vmem_shared>>
          %dma_wait3A_338 = arith.constant 0 : i32
          %dma_wait3A_339 = tpu.memref_slice %arg3[%add3A_164, %dma_wait3A_338] : memref<64x1000000xf32, #tpu.memory_space<hbm>> -> memref<1x1000000xf32, #tpu.memory_space<hbm>>
          %dma_wait3A_340 = tpu.memref_squeeze %dma_wait3A_339 : memref<1x1000000xf32, #tpu.memory_space<hbm>> -> memref<1000000xf32, #tpu.memory_space<hbm>>
          %dma_wait3A_341 = arith.constant 874752 : i32
          %dma_wait3A_342 = tpu.memref_slice %dma_wait3A_340[%dma_wait3A_341] : memref<1000000xf32, #tpu.memory_space<hbm>> -> memref<62592xf32, #tpu.memory_space<hbm>>
          tpu.wait_dma2 semaphore(%run_scoped3A : memref<!tpu.dma_semaphore, #tpu.memory_space<semaphore_mem>>) src(%dma_wait3A_342 : memref<62592xf32, #tpu.memory_space<hbm>>) dst(%dma_wait3A_337 : memref<62592xf32, #tpu.memory_space<vmem_shared>>)
          tpu.yield
        }) : () -> ()
      } else {
      }
      %eq3A_240 = arith.constant 15 : i32
      %eq3A_241 = arith.cmpi eq, %arg1, %eq3A_240 : i32
      %convert_element_type3A_242 = arith.extui %eq3A_241 : i1 to i32
      %cond3A_243 = arith.constant 0 : i32
      %cond3A_244 = arith.cmpi ne, %convert_element_type3A_242, %cond3A_243 : i32
      scf.if %cond3A_244 {
        "tpu.region"() ({
          %run_scoped3A = tpu.sem_alloc : memref<!tpu.dma_semaphore, #tpu.memory_space<semaphore_mem>>
          %dma_start3A_330 = arith.constant 937344 : i32
          %dma_start3A_331 = tpu.memref_slice %arg11[%dma_start3A_330] : memref<1000064xf32, #tpu.memory_space<vmem_shared>> -> memref<62592xf32, #tpu.memory_space<vmem_shared>>
          %dma_start3A_332 = arith.constant 0 : i32
          %dma_start3A_333 = tpu.memref_slice %arg3[%add3A_164, %dma_start3A_332] : memref<64x1000000xf32, #tpu.memory_space<hbm>> -> memref<1x1000000xf32, #tpu.memory_space<hbm>>
          %dma_start3A_334 = tpu.memref_squeeze %dma_start3A_333 : memref<1x1000000xf32, #tpu.memory_space<hbm>> -> memref<1000000xf32, #tpu.memory_space<hbm>>
          %dma_start3A_335 = arith.constant 937344 : i32
          %dma_start3A_336 = tpu.memref_slice %dma_start3A_334[%dma_start3A_335] : memref<1000000xf32, #tpu.memory_space<hbm>> -> memref<62592xf32, #tpu.memory_space<hbm>>
          tpu.enqueue_dma source(%dma_start3A_336 : memref<62592xf32, #tpu.memory_space<hbm>>) target(%dma_start3A_331 : memref<62592xf32, #tpu.memory_space<vmem_shared>>) target_semaphore(%run_scoped3A : memref<!tpu.dma_semaphore, #tpu.memory_space<semaphore_mem>>)
          %dma_wait3A = arith.constant 937344 : i32
          %dma_wait3A_337 = tpu.memref_slice %arg11[%dma_wait3A] : memref<1000064xf32, #tpu.memory_space<vmem_shared>> -> memref<62592xf32, #tpu.memory_space<vmem_shared>>
          %dma_wait3A_338 = arith.constant 0 : i32
          %dma_wait3A_339 = tpu.memref_slice %arg3[%add3A_164, %dma_wait3A_338] : memref<64x1000000xf32, #tpu.memory_space<hbm>> -> memref<1x1000000xf32, #tpu.memory_space<hbm>>
          %dma_wait3A_340 = tpu.memref_squeeze %dma_wait3A_339 : memref<1x1000000xf32, #tpu.memory_space<hbm>> -> memref<1000000xf32, #tpu.memory_space<hbm>>
          %dma_wait3A_341 = arith.constant 937344 : i32
          %dma_wait3A_342 = tpu.memref_slice %dma_wait3A_340[%dma_wait3A_341] : memref<1000000xf32, #tpu.memory_space<hbm>> -> memref<62592xf32, #tpu.memory_space<hbm>>
          tpu.wait_dma2 semaphore(%run_scoped3A : memref<!tpu.dma_semaphore, #tpu.memory_space<semaphore_mem>>) src(%dma_wait3A_342 : memref<62592xf32, #tpu.memory_space<hbm>>) dst(%dma_wait3A_337 : memref<62592xf32, #tpu.memory_space<vmem_shared>>)
          tpu.yield
        }) : () -> ()
      } else {
      }
      %mul3A_245 = arith.constant 128 : i32
      %mul3A_246 = arith.muli %add3A_164, %mul3A_245 : i32
      %eq3A_247 = arith.constant 0 : i32
      %eq3A_248 = arith.cmpi eq, %arg1, %eq3A_247 : i32
      %convert_element_type3A_249 = arith.extui %eq3A_248 : i1 to i32
      %cond3A_250 = arith.constant 0 : i32
      %cond3A_251 = arith.cmpi ne, %convert_element_type3A_249, %cond3A_250 : i32
      scf.if %cond3A_251 {
        "tpu.region"() ({
          %run_scoped3A = tpu.sem_alloc : memref<!tpu.dma_semaphore, #tpu.memory_space<semaphore_mem>>
          %dma_start3A_330 = arith.constant 999936 : i32
          %dma_start3A_331 = tpu.memref_slice %arg11[%dma_start3A_330] : memref<1000064xf32, #tpu.memory_space<vmem_shared>> -> memref<128xf32, #tpu.memory_space<vmem_shared>>
          %dma_start3A_332 = tpu.memref_slice %arg5[%mul3A_246] : memref<8192xf32, #tpu.memory_space<hbm>> -> memref<128xf32, #tpu.memory_space<hbm>>
          tpu.enqueue_dma source(%dma_start3A_332 : memref<128xf32, #tpu.memory_space<hbm>>) target(%dma_start3A_331 : memref<128xf32, #tpu.memory_space<vmem_shared>>) target_semaphore(%run_scoped3A : memref<!tpu.dma_semaphore, #tpu.memory_space<semaphore_mem>>)
          %dma_wait3A = arith.constant 999936 : i32
          %dma_wait3A_333 = tpu.memref_slice %arg11[%dma_wait3A] : memref<1000064xf32, #tpu.memory_space<vmem_shared>> -> memref<128xf32, #tpu.memory_space<vmem_shared>>
          %dma_wait3A_334 = tpu.memref_slice %arg5[%mul3A_246] : memref<8192xf32, #tpu.memory_space<hbm>> -> memref<128xf32, #tpu.memory_space<hbm>>
          tpu.wait_dma2 semaphore(%run_scoped3A : memref<!tpu.dma_semaphore, #tpu.memory_space<semaphore_mem>>) src(%dma_wait3A_334 : memref<128xf32, #tpu.memory_space<hbm>>) dst(%dma_wait3A_333 : memref<128xf32, #tpu.memory_space<vmem_shared>>)
          tpu.yield
        }) : () -> ()
      } else {
      }
      %barrier3A_252 = arith.constant 0 : index
      tpu.barrier barrier_id(%barrier3A_252)
      %dma_start3A_253 = arith.constant 0 : i32
      %dma_start3A_254 = arith.constant 0 : i32
      %dma_start3A_255 = tpu.memref_slice %arg10[%dma_start3A_254] : memref<8192xf32, #tpu.memory_space<vmem>> -> memref<128xf32, #tpu.memory_space<vmem>>
      %dma_start3A_256 = arith.constant 0 : i32
      %dma_start3A_257 = tpu.memref_slice %arg9[%dma_start3A_253, %dma_start3A_256] : memref<50x1024xi32, #tpu.memory_space<vmem>> -> memref<1x128xi32, #tpu.memory_space<vmem>>
      %dma_start3A_258 = tpu.memref_squeeze %dma_start3A_257 : memref<1x128xi32, #tpu.memory_space<vmem>> -> memref<128xi32, #tpu.memory_space<vmem>>
      %dma_start3A_259 = arith.constant 0 : i32
      %dma_start3A_260 = tpu.memref_slice %arg11[%dma_start3A_259] : memref<1000064xf32, #tpu.memory_space<vmem_shared>> -> memref<1000064xf32, #tpu.memory_space<vmem_shared>>
      tpu.enqueue_indirect_dma source(%dma_start3A_260 : memref<1000064xf32, #tpu.memory_space<vmem_shared>>) target(%dma_start3A_255 : memref<128xf32, #tpu.memory_space<vmem>>) offsets(%dma_start3A_258 : memref<128xi32, #tpu.memory_space<vmem>>) semaphore(%arg12 : memref<!tpu.dma_semaphore, #tpu.memory_space<semaphore_mem>>)
      %dma_start3A_261 = arith.constant 0 : i32
      %dma_start3A_262 = arith.constant 128 : i32
      %dma_start3A_263 = tpu.memref_slice %arg10[%dma_start3A_262] : memref<8192xf32, #tpu.memory_space<vmem>> -> memref<128xf32, #tpu.memory_space<vmem>>
      %dma_start3A_264 = arith.constant 128 : i32
      %dma_start3A_265 = tpu.memref_slice %arg9[%dma_start3A_261, %dma_start3A_264] : memref<50x1024xi32, #tpu.memory_space<vmem>> -> memref<1x128xi32, #tpu.memory_space<vmem>>
      %dma_start3A_266 = tpu.memref_squeeze %dma_start3A_265 : memref<1x128xi32, #tpu.memory_space<vmem>> -> memref<128xi32, #tpu.memory_space<vmem>>
      %dma_start3A_267 = arith.constant 0 : i32
      %dma_start3A_268 = tpu.memref_slice %arg11[%dma_start3A_267] : memref<1000064xf32, #tpu.memory_space<vmem_shared>> -> memref<1000064xf32, #tpu.memory_space<vmem_shared>>
      tpu.enqueue_indirect_dma source(%dma_start3A_268 : memref<1000064xf32, #tpu.memory_space<vmem_shared>>) target(%dma_start3A_263 : memref<128xf32, #tpu.memory_space<vmem>>) offsets(%dma_start3A_266 : memref<128xi32, #tpu.memory_space<vmem>>) semaphore(%arg12 : memref<!tpu.dma_semaphore, #tpu.memory_space<semaphore_mem>>)
      %dma_start3A_269 = arith.constant 0 : i32
      %dma_start3A_270 = arith.constant 256 : i32
      %dma_start3A_271 = tpu.memref_slice %arg10[%dma_start3A_270] : memref<8192xf32, #tpu.memory_space<vmem>> -> memref<128xf32, #tpu.memory_space<vmem>>
      %dma_start3A_272 = arith.constant 256 : i32
      %dma_start3A_273 = tpu.memref_slice %arg9[%dma_start3A_269, %dma_start3A_272] : memref<50x1024xi32, #tpu.memory_space<vmem>> -> memref<1x128xi32, #tpu.memory_space<vmem>>
      %dma_start3A_274 = tpu.memref_squeeze %dma_start3A_273 : memref<1x128xi32, #tpu.memory_space<vmem>> -> memref<128xi32, #tpu.memory_space<vmem>>
      %dma_start3A_275 = arith.constant 0 : i32
      %dma_start3A_276 = tpu.memref_slice %arg11[%dma_start3A_275] : memref<1000064xf32, #tpu.memory_space<vmem_shared>> -> memref<1000064xf32, #tpu.memory_space<vmem_shared>>
      tpu.enqueue_indirect_dma source(%dma_start3A_276 : memref<1000064xf32, #tpu.memory_space<vmem_shared>>) target(%dma_start3A_271 : memref<128xf32, #tpu.memory_space<vmem>>) offsets(%dma_start3A_274 : memref<128xi32, #tpu.memory_space<vmem>>) semaphore(%arg12 : memref<!tpu.dma_semaphore, #tpu.memory_space<semaphore_mem>>)
      %dma_start3A_277 = arith.constant 0 : i32
      %dma_start3A_278 = arith.constant 384 : i32
      %dma_start3A_279 = tpu.memref_slice %arg10[%dma_start3A_278] : memref<8192xf32, #tpu.memory_space<vmem>> -> memref<128xf32, #tpu.memory_space<vmem>>
      %dma_start3A_280 = arith.constant 384 : i32
      %dma_start3A_281 = tpu.memref_slice %arg9[%dma_start3A_277, %dma_start3A_280] : memref<50x1024xi32, #tpu.memory_space<vmem>> -> memref<1x128xi32, #tpu.memory_space<vmem>>
      %dma_start3A_282 = tpu.memref_squeeze %dma_start3A_281 : memref<1x128xi32, #tpu.memory_space<vmem>> -> memref<128xi32, #tpu.memory_space<vmem>>
      %dma_start3A_283 = arith.constant 0 : i32
      %dma_start3A_284 = tpu.memref_slice %arg11[%dma_start3A_283] : memref<1000064xf32, #tpu.memory_space<vmem_shared>> -> memref<1000064xf32, #tpu.memory_space<vmem_shared>>
      tpu.enqueue_indirect_dma source(%dma_start3A_284 : memref<1000064xf32, #tpu.memory_space<vmem_shared>>) target(%dma_start3A_279 : memref<128xf32, #tpu.memory_space<vmem>>) offsets(%dma_start3A_282 : memref<128xi32, #tpu.memory_space<vmem>>) semaphore(%arg12 : memref<!tpu.dma_semaphore, #tpu.memory_space<semaphore_mem>>)
      %dma_start3A_285 = arith.constant 0 : i32
      %dma_start3A_286 = arith.constant 512 : i32
      %dma_start3A_287 = tpu.memref_slice %arg10[%dma_start3A_286] : memref<8192xf32, #tpu.memory_space<vmem>> -> memref<128xf32, #tpu.memory_space<vmem>>
      %dma_start3A_288 = arith.constant 512 : i32
      %dma_start3A_289 = tpu.memref_slice %arg9[%dma_start3A_285, %dma_start3A_288] : memref<50x1024xi32, #tpu.memory_space<vmem>> -> memref<1x128xi32, #tpu.memory_space<vmem>>
      %dma_start3A_290 = tpu.memref_squeeze %dma_start3A_289 : memref<1x128xi32, #tpu.memory_space<vmem>> -> memref<128xi32, #tpu.memory_space<vmem>>
      %dma_start3A_291 = arith.constant 0 : i32
      %dma_start3A_292 = tpu.memref_slice %arg11[%dma_start3A_291] : memref<1000064xf32, #tpu.memory_space<vmem_shared>> -> memref<1000064xf32, #tpu.memory_space<vmem_shared>>
      tpu.enqueue_indirect_dma source(%dma_start3A_292 : memref<1000064xf32, #tpu.memory_space<vmem_shared>>) target(%dma_start3A_287 : memref<128xf32, #tpu.memory_space<vmem>>) offsets(%dma_start3A_290 : memref<128xi32, #tpu.memory_space<vmem>>) semaphore(%arg12 : memref<!tpu.dma_semaphore, #tpu.memory_space<semaphore_mem>>)
      %dma_start3A_293 = arith.constant 0 : i32
      %dma_start3A_294 = arith.constant 640 : i32
      %dma_start3A_295 = tpu.memref_slice %arg10[%dma_start3A_294] : memref<8192xf32, #tpu.memory_space<vmem>> -> memref<128xf32, #tpu.memory_space<vmem>>
      %dma_start3A_296 = arith.constant 640 : i32
      %dma_start3A_297 = tpu.memref_slice %arg9[%dma_start3A_293, %dma_start3A_296] : memref<50x1024xi32, #tpu.memory_space<vmem>> -> memref<1x128xi32, #tpu.memory_space<vmem>>
      %dma_start3A_298 = tpu.memref_squeeze %dma_start3A_297 : memref<1x128xi32, #tpu.memory_space<vmem>> -> memref<128xi32, #tpu.memory_space<vmem>>
      %dma_start3A_299 = arith.constant 0 : i32
      %dma_start3A_300 = tpu.memref_slice %arg11[%dma_start3A_299] : memref<1000064xf32, #tpu.memory_space<vmem_shared>> -> memref<1000064xf32, #tpu.memory_space<vmem_shared>>
      tpu.enqueue_indirect_dma source(%dma_start3A_300 : memref<1000064xf32, #tpu.memory_space<vmem_shared>>) target(%dma_start3A_295 : memref<128xf32, #tpu.memory_space<vmem>>) offsets(%dma_start3A_298 : memref<128xi32, #tpu.memory_space<vmem>>) semaphore(%arg12 : memref<!tpu.dma_semaphore, #tpu.memory_space<semaphore_mem>>)
      %dma_start3A_301 = arith.constant 0 : i32
      %dma_start3A_302 = arith.constant 768 : i32
      %dma_start3A_303 = tpu.memref_slice %arg10[%dma_start3A_302] : memref<8192xf32, #tpu.memory_space<vmem>> -> memref<128xf32, #tpu.memory_space<vmem>>
      %dma_start3A_304 = arith.constant 768 : i32
      %dma_start3A_305 = tpu.memref_slice %arg9[%dma_start3A_301, %dma_start3A_304] : memref<50x1024xi32, #tpu.memory_space<vmem>> -> memref<1x128xi32, #tpu.memory_space<vmem>>
      %dma_start3A_306 = tpu.memref_squeeze %dma_start3A_305 : memref<1x128xi32, #tpu.memory_space<vmem>> -> memref<128xi32, #tpu.memory_space<vmem>>
      %dma_start3A_307 = arith.constant 0 : i32
      %dma_start3A_308 = tpu.memref_slice %arg11[%dma_start3A_307] : memref<1000064xf32, #tpu.memory_space<vmem_shared>> -> memref<1000064xf32, #tpu.memory_space<vmem_shared>>
      tpu.enqueue_indirect_dma source(%dma_start3A_308 : memref<1000064xf32, #tpu.memory_space<vmem_shared>>) target(%dma_start3A_303 : memref<128xf32, #tpu.memory_space<vmem>>) offsets(%dma_start3A_306 : memref<128xi32, #tpu.memory_space<vmem>>) semaphore(%arg12 : memref<!tpu.dma_semaphore, #tpu.memory_space<semaphore_mem>>)
      %dma_start3A_309 = arith.constant 0 : i32
      %dma_start3A_310 = arith.constant 896 : i32
      %dma_start3A_311 = tpu.memref_slice %arg10[%dma_start3A_310] : memref<8192xf32, #tpu.memory_space<vmem>> -> memref<128xf32, #tpu.memory_space<vmem>>
      %dma_start3A_312 = arith.constant 896 : i32
      %dma_start3A_313 = tpu.memref_slice %arg9[%dma_start3A_309, %dma_start3A_312] : memref<50x1024xi32, #tpu.memory_space<vmem>> -> memref<1x128xi32, #tpu.memory_space<vmem>>
      %dma_start3A_314 = tpu.memref_squeeze %dma_start3A_313 : memref<1x128xi32, #tpu.memory_space<vmem>> -> memref<128xi32, #tpu.memory_space<vmem>>
      %dma_start3A_315 = arith.constant 0 : i32
      %dma_start3A_316 = tpu.memref_slice %arg11[%dma_start3A_315] : memref<1000064xf32, #tpu.memory_space<vmem_shared>> -> memref<1000064xf32, #tpu.memory_space<vmem_shared>>
      tpu.enqueue_indirect_dma source(%dma_start3A_316 : memref<1000064xf32, #tpu.memory_space<vmem_shared>>) target(%dma_start3A_311 : memref<128xf32, #tpu.memory_space<vmem>>) offsets(%dma_start3A_314 : memref<128xi32, #tpu.memory_space<vmem>>) semaphore(%arg12 : memref<!tpu.dma_semaphore, #tpu.memory_space<semaphore_mem>>)
      %scan3A_317 = arith.constant 0 : i32
      %scan3A_318 = arith.constant 0 : i32
      %scan3A_319 = arith.constant 50 : i32
      %scan3A_320 = arith.addi %scan3A_318, %scan3A_319 : i32
      %scan3A_321 = arith.constant 1 : i32
      scf.for %scan3A_330 = %scan3A_318 to %scan3A_320 step %scan3A_321  : i32 {
        %ge3A = arith.constant 7 : i32
        %ge3A_331 = arith.cmpi sge, %scan3A_330, %ge3A : i32
        %convert_element_type3A_332 = arith.extui %ge3A_331 : i1 to i32
        %cond3A_333 = arith.constant 0 : i32
        %cond3A_334 = arith.cmpi ne, %convert_element_type3A_332, %cond3A_333 : i32
        scf.if %cond3A_334 {
          %dma_wait3A_355 = arith.constant 0 : i32
          %dma_wait3A_356 = tpu.memref_slice %arg10[%dma_wait3A_355] : memref<8192xf32, #tpu.memory_space<vmem>> -> memref<1024xf32, #tpu.memory_space<vmem>>
          %dma_wait3A_357 = arith.constant 0 : i32
          %dma_wait3A_358 = tpu.memref_slice %arg5[%dma_wait3A_357] : memref<8192xf32, #tpu.memory_space<hbm>> -> memref<1024xf32, #tpu.memory_space<hbm>>
          %dma_wait3A_359 = arith.constant 0 : i32
          %dma_wait3A_360 = tpu.memref_slice %arg10[%dma_wait3A_359] : memref<8192xf32, #tpu.memory_space<vmem>> -> memref<1024xf32, #tpu.memory_space<vmem>>
          %dma_wait3A_361 = arith.constant 0 : i32
          %dma_wait3A_362 = tpu.memref_slice %arg5[%dma_wait3A_361] : memref<8192xf32, #tpu.memory_space<hbm>> -> memref<1024xf32, #tpu.memory_space<hbm>>
          tpu.wait_dma2 semaphore(%arg13 : memref<!tpu.dma_semaphore, #tpu.memory_space<semaphore_mem>>) src(%dma_wait3A_362 : memref<1024xf32, #tpu.memory_space<hbm>>) dst(%dma_wait3A_360 : memref<1024xf32, #tpu.memory_space<vmem>>)
        } else {
        }
        %lt3A = arith.constant 49 : i32
        %lt3A_335 = arith.cmpi slt, %scan3A_330, %lt3A : i32
        %convert_element_type3A_336 = arith.extui %lt3A_335 : i1 to i32
        %cond3A_337 = arith.constant 0 : i32
        %cond3A_338 = arith.cmpi ne, %convert_element_type3A_336, %cond3A_337 : i32
        scf.if %cond3A_338 {
          %add3A_355 = arith.constant 1 : i32
          %add3A_356 = arith.addi %scan3A_330, %add3A_355 : i32
          %add3A_357 = arith.constant 1 : i32
          %add3A_358 = arith.addi %scan3A_330, %add3A_357 : i32
          %rem3A_359 = arith.constant 8 : i32
          %rem3A_360 = arith.remsi %add3A_358, %rem3A_359 : i32
          %mul3A_361 = arith.constant 1024 : i32
          %mul3A_362 = arith.muli %rem3A_360, %mul3A_361 : i32
          %add3A_363 = arith.constant 0 : i32
          %add3A_364 = arith.addi %mul3A_362, %add3A_363 : i32
          %dma_start3A_365 = tpu.memref_slice %arg10[%add3A_364] : memref<8192xf32, #tpu.memory_space<vmem>> -> memref<128xf32, #tpu.memory_space<vmem>>
          %dma_start3A_366 = arith.constant 0 : i32
          %dma_start3A_367 = tpu.memref_slice %arg9[%add3A_356, %dma_start3A_366] : memref<50x1024xi32, #tpu.memory_space<vmem>> -> memref<1x128xi32, #tpu.memory_space<vmem>>
          %dma_start3A_368 = tpu.memref_squeeze %dma_start3A_367 : memref<1x128xi32, #tpu.memory_space<vmem>> -> memref<128xi32, #tpu.memory_space<vmem>>
          %dma_start3A_369 = arith.constant 0 : i32
          %dma_start3A_370 = tpu.memref_slice %arg11[%dma_start3A_369] : memref<1000064xf32, #tpu.memory_space<vmem_shared>> -> memref<1000064xf32, #tpu.memory_space<vmem_shared>>
          tpu.enqueue_indirect_dma source(%dma_start3A_370 : memref<1000064xf32, #tpu.memory_space<vmem_shared>>) target(%dma_start3A_365 : memref<128xf32, #tpu.memory_space<vmem>>) offsets(%dma_start3A_368 : memref<128xi32, #tpu.memory_space<vmem>>) semaphore(%arg12 : memref<!tpu.dma_semaphore, #tpu.memory_space<semaphore_mem>>)
          %mul3A_371 = arith.constant 1024 : i32
          %mul3A_372 = arith.muli %rem3A_360, %mul3A_371 : i32
          %add3A_373 = arith.constant 128 : i32
          %add3A_374 = arith.addi %mul3A_372, %add3A_373 : i32
          %dma_start3A_375 = tpu.memref_slice %arg10[%add3A_374] : memref<8192xf32, #tpu.memory_space<vmem>> -> memref<128xf32, #tpu.memory_space<vmem>>
          %dma_start3A_376 = arith.constant 128 : i32
          %dma_start3A_377 = tpu.memref_slice %arg9[%add3A_356, %dma_start3A_376] : memref<50x1024xi32, #tpu.memory_space<vmem>> -> memref<1x128xi32, #tpu.memory_space<vmem>>
          %dma_start3A_378 = tpu.memref_squeeze %dma_start3A_377 : memref<1x128xi32, #tpu.memory_space<vmem>> -> memref<128xi32, #tpu.memory_space<vmem>>
          %dma_start3A_379 = arith.constant 0 : i32
          %dma_start3A_380 = tpu.memref_slice %arg11[%dma_start3A_379] : memref<1000064xf32, #tpu.memory_space<vmem_shared>> -> memref<1000064xf32, #tpu.memory_space<vmem_shared>>
          tpu.enqueue_indirect_dma source(%dma_start3A_380 : memref<1000064xf32, #tpu.memory_space<vmem_shared>>) target(%dma_start3A_375 : memref<128xf32, #tpu.memory_space<vmem>>) offsets(%dma_start3A_378 : memref<128xi32, #tpu.memory_space<vmem>>) semaphore(%arg12 : memref<!tpu.dma_semaphore, #tpu.memory_space<semaphore_mem>>)
          %mul3A_381 = arith.constant 1024 : i32
          %mul3A_382 = arith.muli %rem3A_360, %mul3A_381 : i32
          %add3A_383 = arith.constant 256 : i32
          %add3A_384 = arith.addi %mul3A_382, %add3A_383 : i32
          %dma_start3A_385 = tpu.memref_slice %arg10[%add3A_384] : memref<8192xf32, #tpu.memory_space<vmem>> -> memref<128xf32, #tpu.memory_space<vmem>>
          %dma_start3A_386 = arith.constant 256 : i32
          %dma_start3A_387 = tpu.memref_slice %arg9[%add3A_356, %dma_start3A_386] : memref<50x1024xi32, #tpu.memory_space<vmem>> -> memref<1x128xi32, #tpu.memory_space<vmem>>
          %dma_start3A_388 = tpu.memref_squeeze %dma_start3A_387 : memref<1x128xi32, #tpu.memory_space<vmem>> -> memref<128xi32, #tpu.memory_space<vmem>>
          %dma_start3A_389 = arith.constant 0 : i32
          %dma_start3A_390 = tpu.memref_slice %arg11[%dma_start3A_389] : memref<1000064xf32, #tpu.memory_space<vmem_shared>> -> memref<1000064xf32, #tpu.memory_space<vmem_shared>>
          tpu.enqueue_indirect_dma source(%dma_start3A_390 : memref<1000064xf32, #tpu.memory_space<vmem_shared>>) target(%dma_start3A_385 : memref<128xf32, #tpu.memory_space<vmem>>) offsets(%dma_start3A_388 : memref<128xi32, #tpu.memory_space<vmem>>) semaphore(%arg12 : memref<!tpu.dma_semaphore, #tpu.memory_space<semaphore_mem>>)
          %mul3A_391 = arith.constant 1024 : i32
          %mul3A_392 = arith.muli %rem3A_360, %mul3A_391 : i32
          %add3A_393 = arith.constant 384 : i32
          %add3A_394 = arith.addi %mul3A_392, %add3A_393 : i32
          %dma_start3A_395 = tpu.memref_slice %arg10[%add3A_394] : memref<8192xf32, #tpu.memory_space<vmem>> -> memref<128xf32, #tpu.memory_space<vmem>>
          %dma_start3A_396 = arith.constant 384 : i32
          %dma_start3A_397 = tpu.memref_slice %arg9[%add3A_356, %dma_start3A_396] : memref<50x1024xi32, #tpu.memory_space<vmem>> -> memref<1x128xi32, #tpu.memory_space<vmem>>
          %dma_start3A_398 = tpu.memref_squeeze %dma_start3A_397 : memref<1x128xi32, #tpu.memory_space<vmem>> -> memref<128xi32, #tpu.memory_space<vmem>>
          %dma_start3A_399 = arith.constant 0 : i32
          %dma_start3A_400 = tpu.memref_slice %arg11[%dma_start3A_399] : memref<1000064xf32, #tpu.memory_space<vmem_shared>> -> memref<1000064xf32, #tpu.memory_space<vmem_shared>>
          tpu.enqueue_indirect_dma source(%dma_start3A_400 : memref<1000064xf32, #tpu.memory_space<vmem_shared>>) target(%dma_start3A_395 : memref<128xf32, #tpu.memory_space<vmem>>) offsets(%dma_start3A_398 : memref<128xi32, #tpu.memory_space<vmem>>) semaphore(%arg12 : memref<!tpu.dma_semaphore, #tpu.memory_space<semaphore_mem>>)
          %mul3A_401 = arith.constant 1024 : i32
          %mul3A_402 = arith.muli %rem3A_360, %mul3A_401 : i32
          %add3A_403 = arith.constant 512 : i32
          %add3A_404 = arith.addi %mul3A_402, %add3A_403 : i32
          %dma_start3A_405 = tpu.memref_slice %arg10[%add3A_404] : memref<8192xf32, #tpu.memory_space<vmem>> -> memref<128xf32, #tpu.memory_space<vmem>>
          %dma_start3A_406 = arith.constant 512 : i32
          %dma_start3A_407 = tpu.memref_slice %arg9[%add3A_356, %dma_start3A_406] : memref<50x1024xi32, #tpu.memory_space<vmem>> -> memref<1x128xi32, #tpu.memory_space<vmem>>
          %dma_start3A_408 = tpu.memref_squeeze %dma_start3A_407 : memref<1x128xi32, #tpu.memory_space<vmem>> -> memref<128xi32, #tpu.memory_space<vmem>>
          %dma_start3A_409 = arith.constant 0 : i32
          %dma_start3A_410 = tpu.memref_slice %arg11[%dma_start3A_409] : memref<1000064xf32, #tpu.memory_space<vmem_shared>> -> memref<1000064xf32, #tpu.memory_space<vmem_shared>>
          tpu.enqueue_indirect_dma source(%dma_start3A_410 : memref<1000064xf32, #tpu.memory_space<vmem_shared>>) target(%dma_start3A_405 : memref<128xf32, #tpu.memory_space<vmem>>) offsets(%dma_start3A_408 : memref<128xi32, #tpu.memory_space<vmem>>) semaphore(%arg12 : memref<!tpu.dma_semaphore, #tpu.memory_space<semaphore_mem>>)
          %mul3A_411 = arith.constant 1024 : i32
          %mul3A_412 = arith.muli %rem3A_360, %mul3A_411 : i32
          %add3A_413 = arith.constant 640 : i32
          %add3A_414 = arith.addi %mul3A_412, %add3A_413 : i32
          %dma_start3A_415 = tpu.memref_slice %arg10[%add3A_414] : memref<8192xf32, #tpu.memory_space<vmem>> -> memref<128xf32, #tpu.memory_space<vmem>>
          %dma_start3A_416 = arith.constant 640 : i32
          %dma_start3A_417 = tpu.memref_slice %arg9[%add3A_356, %dma_start3A_416] : memref<50x1024xi32, #tpu.memory_space<vmem>> -> memref<1x128xi32, #tpu.memory_space<vmem>>
          %dma_start3A_418 = tpu.memref_squeeze %dma_start3A_417 : memref<1x128xi32, #tpu.memory_space<vmem>> -> memref<128xi32, #tpu.memory_space<vmem>>
          %dma_start3A_419 = arith.constant 0 : i32
          %dma_start3A_420 = tpu.memref_slice %arg11[%dma_start3A_419] : memref<1000064xf32, #tpu.memory_space<vmem_shared>> -> memref<1000064xf32, #tpu.memory_space<vmem_shared>>
          tpu.enqueue_indirect_dma source(%dma_start3A_420 : memref<1000064xf32, #tpu.memory_space<vmem_shared>>) target(%dma_start3A_415 : memref<128xf32, #tpu.memory_space<vmem>>) offsets(%dma_start3A_418 : memref<128xi32, #tpu.memory_space<vmem>>) semaphore(%arg12 : memref<!tpu.dma_semaphore, #tpu.memory_space<semaphore_mem>>)
          %mul3A_421 = arith.constant 1024 : i32
          %mul3A_422 = arith.muli %rem3A_360, %mul3A_421 : i32
          %add3A_423 = arith.constant 768 : i32
          %add3A_424 = arith.addi %mul3A_422, %add3A_423 : i32
          %dma_start3A_425 = tpu.memref_slice %arg10[%add3A_424] : memref<8192xf32, #tpu.memory_space<vmem>> -> memref<128xf32, #tpu.memory_space<vmem>>
          %dma_start3A_426 = arith.constant 768 : i32
          %dma_start3A_427 = tpu.memref_slice %arg9[%add3A_356, %dma_start3A_426] : memref<50x1024xi32, #tpu.memory_space<vmem>> -> memref<1x128xi32, #tpu.memory_space<vmem>>
          %dma_start3A_428 = tpu.memref_squeeze %dma_start3A_427 : memref<1x128xi32, #tpu.memory_space<vmem>> -> memref<128xi32, #tpu.memory_space<vmem>>
          %dma_start3A_429 = arith.constant 0 : i32
          %dma_start3A_430 = tpu.memref_slice %arg11[%dma_start3A_429] : memref<1000064xf32, #tpu.memory_space<vmem_shared>> -> memref<1000064xf32, #tpu.memory_space<vmem_shared>>
          tpu.enqueue_indirect_dma source(%dma_start3A_430 : memref<1000064xf32, #tpu.memory_space<vmem_shared>>) target(%dma_start3A_425 : memref<128xf32, #tpu.memory_space<vmem>>) offsets(%dma_start3A_428 : memref<128xi32, #tpu.memory_space<vmem>>) semaphore(%arg12 : memref<!tpu.dma_semaphore, #tpu.memory_space<semaphore_mem>>)
          %mul3A_431 = arith.constant 1024 : i32
          %mul3A_432 = arith.muli %rem3A_360, %mul3A_431 : i32
          %add3A_433 = arith.constant 896 : i32
          %add3A_434 = arith.addi %mul3A_432, %add3A_433 : i32
          %dma_start3A_435 = tpu.memref_slice %arg10[%add3A_434] : memref<8192xf32, #tpu.memory_space<vmem>> -> memref<128xf32, #tpu.memory_space<vmem>>
          %dma_start3A_436 = arith.constant 896 : i32
          %dma_start3A_437 = tpu.memref_slice %arg9[%add3A_356, %dma_start3A_436] : memref<50x1024xi32, #tpu.memory_space<vmem>> -> memref<1x128xi32, #tpu.memory_space<vmem>>
          %dma_start3A_438 = tpu.memref_squeeze %dma_start3A_437 : memref<1x128xi32, #tpu.memory_space<vmem>> -> memref<128xi32, #tpu.memory_space<vmem>>
          %dma_start3A_439 = arith.constant 0 : i32
          %dma_start3A_440 = tpu.memref_slice %arg11[%dma_start3A_439] : memref<1000064xf32, #tpu.memory_space<vmem_shared>> -> memref<1000064xf32, #tpu.memory_space<vmem_shared>>
          tpu.enqueue_indirect_dma source(%dma_start3A_440 : memref<1000064xf32, #tpu.memory_space<vmem_shared>>) target(%dma_start3A_435 : memref<128xf32, #tpu.memory_space<vmem>>) offsets(%dma_start3A_438 : memref<128xi32, #tpu.memory_space<vmem>>) semaphore(%arg12 : memref<!tpu.dma_semaphore, #tpu.memory_space<semaphore_mem>>)
        } else {
        }
        %dma_wait3A = arith.constant 0 : i32
        %dma_wait3A_339 = tpu.memref_slice %arg10[%dma_wait3A] : memref<8192xf32, #tpu.memory_space<vmem>> -> memref<1024xf32, #tpu.memory_space<vmem>>
        %dma_wait3A_340 = arith.constant 0 : i32
        %dma_wait3A_341 = tpu.memref_slice %arg5[%dma_wait3A_340] : memref<8192xf32, #tpu.memory_space<hbm>> -> memref<1024xf32, #tpu.memory_space<hbm>>
        %dma_wait3A_342 = arith.constant 0 : i32
        %dma_wait3A_343 = tpu.memref_slice %arg10[%dma_wait3A_342] : memref<8192xf32, #tpu.memory_space<vmem>> -> memref<1024xf32, #tpu.memory_space<vmem>>
        %dma_wait3A_344 = arith.constant 0 : i32
        %dma_wait3A_345 = tpu.memref_slice %arg5[%dma_wait3A_344] : memref<8192xf32, #tpu.memory_space<hbm>> -> memref<1024xf32, #tpu.memory_space<hbm>>
        tpu.wait_dma2 semaphore(%arg12 : memref<!tpu.dma_semaphore, #tpu.memory_space<semaphore_mem>>) src(%dma_wait3A_345 : memref<1024xf32, #tpu.memory_space<hbm>>) dst(%dma_wait3A_343 : memref<1024xf32, #tpu.memory_space<vmem>>)
        %rem3A = arith.constant 8 : i32
        %rem3A_346 = arith.remsi %scan3A_330, %rem3A : i32
        %mul3A_347 = arith.constant 1024 : i32
        %mul3A_348 = arith.muli %rem3A_346, %mul3A_347 : i32
        %dma_start3A_349 = tpu.memref_slice %arg10[%mul3A_348] : memref<8192xf32, #tpu.memory_space<vmem>> -> memref<1024xf32, #tpu.memory_space<vmem>>
        %dma_start3A_350 = tpu.memref_slice %arg7[%scan3A_330, %add3A_164, %mul3A_0] : memref<50x64x16384xf32, #tpu.memory_space<hbm>> -> memref<1x1x1024xf32, #tpu.memory_space<hbm>>
        %dma_start3A_351 = tpu.memref_squeeze %dma_start3A_350 : memref<1x1x1024xf32, #tpu.memory_space<hbm>> -> memref<1024xf32, #tpu.memory_space<hbm>>
        %dma_start3A_352 = tpu.memref_slice %arg7[%scan3A_330, %add3A_164, %mul3A_0] : memref<50x64x16384xf32, #tpu.memory_space<hbm>> -> memref<1x1x1024xf32, #tpu.memory_space<hbm>>
        %dma_start3A_353 = tpu.memref_squeeze %dma_start3A_352 : memref<1x1x1024xf32, #tpu.memory_space<hbm>> -> memref<1024xf32, #tpu.memory_space<hbm>>
        %dma_start3A_354 = tpu.memref_slice %arg10[%mul3A_348] : memref<8192xf32, #tpu.memory_space<vmem>> -> memref<1024xf32, #tpu.memory_space<vmem>>
        tpu.enqueue_dma source(%dma_start3A_354 : memref<1024xf32, #tpu.memory_space<vmem>>) target(%dma_start3A_353 : memref<1024xf32, #tpu.memory_space<hbm>>) target_semaphore(%arg13 : memref<!tpu.dma_semaphore, #tpu.memory_space<semaphore_mem>>)
      }
      %scan3A_322 = arith.constant 50 : i32
      %scan3A_323 = arith.constant 0 : i32
      %scan3A_324 = arith.constant 0 : i32
      %scan3A_325 = arith.constant 7 : i32
      %scan3A_326 = arith.addi %scan3A_324, %scan3A_325 : i32
      %scan3A_327 = arith.constant 1 : i32
      scf.for %scan3A_330 = %scan3A_324 to %scan3A_326 step %scan3A_327  : i32 {
        %dma_wait3A = arith.constant 0 : i32
        %dma_wait3A_331 = tpu.memref_slice %arg10[%dma_wait3A] : memref<8192xf32, #tpu.memory_space<vmem>> -> memref<1024xf32, #tpu.memory_space<vmem>>
        %dma_wait3A_332 = arith.constant 0 : i32
        %dma_wait3A_333 = tpu.memref_slice %arg5[%dma_wait3A_332] : memref<8192xf32, #tpu.memory_space<hbm>> -> memref<1024xf32, #tpu.memory_space<hbm>>
        %dma_wait3A_334 = arith.constant 0 : i32
        %dma_wait3A_335 = tpu.memref_slice %arg10[%dma_wait3A_334] : memref<8192xf32, #tpu.memory_space<vmem>> -> memref<1024xf32, #tpu.memory_space<vmem>>
        %dma_wait3A_336 = arith.constant 0 : i32
        %dma_wait3A_337 = tpu.memref_slice %arg5[%dma_wait3A_336] : memref<8192xf32, #tpu.memory_space<hbm>> -> memref<1024xf32, #tpu.memory_space<hbm>>
        tpu.wait_dma2 semaphore(%arg13 : memref<!tpu.dma_semaphore, #tpu.memory_space<semaphore_mem>>) src(%dma_wait3A_337 : memref<1024xf32, #tpu.memory_space<hbm>>) dst(%dma_wait3A_335 : memref<1024xf32, #tpu.memory_space<vmem>>)
      }
      %scan3A_328 = arith.constant 7 : i32
      %barrier3A_329 = arith.constant 0 : index
      tpu.barrier barrier_id(%barrier3A_329)
    }
    %scan3A_7 = arith.constant 32 : i32
    %eq3A = arith.constant 0 : i32
    %eq3A_8 = arith.cmpi eq, %arg1, %eq3A : i32
    %convert_element_type3A = arith.extui %eq3A_8 : i1 to i32
    %cond3A = arith.constant 0 : i32
    %cond3A_9 = arith.cmpi ne, %convert_element_type3A, %cond3A : i32
    scf.if %cond3A_9 {
      "tpu.region"() ({
        %run_scoped3A = tpu.sem_alloc : memref<!tpu.dma_semaphore, #tpu.memory_space<semaphore_mem>>
        %dma_start3A_161 = arith.constant 0 : i32
        %dma_start3A_162 = tpu.memref_slice %arg11[%dma_start3A_161] : memref<1000064xf32, #tpu.memory_space<vmem_shared>> -> memref<62464xf32, #tpu.memory_space<vmem_shared>>
        %dma_start3A_163 = arith.constant 0 : i32
        %dma_start3A_164 = tpu.memref_slice %arg4[%dma_start3A_163] : memref<1000000xf32, #tpu.memory_space<hbm>> -> memref<62464xf32, #tpu.memory_space<hbm>>
        tpu.enqueue_dma source(%dma_start3A_164 : memref<62464xf32, #tpu.memory_space<hbm>>) target(%dma_start3A_162 : memref<62464xf32, #tpu.memory_space<vmem_shared>>) target_semaphore(%run_scoped3A : memref<!tpu.dma_semaphore, #tpu.memory_space<semaphore_mem>>)
        %dma_wait3A = arith.constant 0 : i32
        %dma_wait3A_165 = tpu.memref_slice %arg11[%dma_wait3A] : memref<1000064xf32, #tpu.memory_space<vmem_shared>> -> memref<62464xf32, #tpu.memory_space<vmem_shared>>
        %dma_wait3A_166 = arith.constant 0 : i32
        %dma_wait3A_167 = tpu.memref_slice %arg4[%dma_wait3A_166] : memref<1000000xf32, #tpu.memory_space<hbm>> -> memref<62464xf32, #tpu.memory_space<hbm>>
        tpu.wait_dma2 semaphore(%run_scoped3A : memref<!tpu.dma_semaphore, #tpu.memory_space<semaphore_mem>>) src(%dma_wait3A_167 : memref<62464xf32, #tpu.memory_space<hbm>>) dst(%dma_wait3A_165 : memref<62464xf32, #tpu.memory_space<vmem_shared>>)
        tpu.yield
      }) : () -> ()
    } else {
    }
    %eq3A_10 = arith.constant 1 : i32
    %eq3A_11 = arith.cmpi eq, %arg1, %eq3A_10 : i32
    %convert_element_type3A_12 = arith.extui %eq3A_11 : i1 to i32
    %cond3A_13 = arith.constant 0 : i32
    %cond3A_14 = arith.cmpi ne, %convert_element_type3A_12, %cond3A_13 : i32
    scf.if %cond3A_14 {
      "tpu.region"() ({
        %run_scoped3A = tpu.sem_alloc : memref<!tpu.dma_semaphore, #tpu.memory_space<semaphore_mem>>
        %dma_start3A_161 = arith.constant 62464 : i32
        %dma_start3A_162 = tpu.memref_slice %arg11[%dma_start3A_161] : memref<1000064xf32, #tpu.memory_space<vmem_shared>> -> memref<62464xf32, #tpu.memory_space<vmem_shared>>
        %dma_start3A_163 = arith.constant 62464 : i32
        %dma_start3A_164 = tpu.memref_slice %arg4[%dma_start3A_163] : memref<1000000xf32, #tpu.memory_space<hbm>> -> memref<62464xf32, #tpu.memory_space<hbm>>
        tpu.enqueue_dma source(%dma_start3A_164 : memref<62464xf32, #tpu.memory_space<hbm>>) target(%dma_start3A_162 : memref<62464xf32, #tpu.memory_space<vmem_shared>>) target_semaphore(%run_scoped3A : memref<!tpu.dma_semaphore, #tpu.memory_space<semaphore_mem>>)
        %dma_wait3A = arith.constant 62464 : i32
        %dma_wait3A_165 = tpu.memref_slice %arg11[%dma_wait3A] : memref<1000064xf32, #tpu.memory_space<vmem_shared>> -> memref<62464xf32, #tpu.memory_space<vmem_shared>>
        %dma_wait3A_166 = arith.constant 62464 : i32
        %dma_wait3A_167 = tpu.memref_slice %arg4[%dma_wait3A_166] : memref<1000000xf32, #tpu.memory_space<hbm>> -> memref<62464xf32, #tpu.memory_space<hbm>>
        tpu.wait_dma2 semaphore(%run_scoped3A : memref<!tpu.dma_semaphore, #tpu.memory_space<semaphore_mem>>) src(%dma_wait3A_167 : memref<62464xf32, #tpu.memory_space<hbm>>) dst(%dma_wait3A_165 : memref<62464xf32, #tpu.memory_space<vmem_shared>>)
        tpu.yield
      }) : () -> ()
    } else {
    }
    %eq3A_15 = arith.constant 2 : i32
    %eq3A_16 = arith.cmpi eq, %arg1, %eq3A_15 : i32
    %convert_element_type3A_17 = arith.extui %eq3A_16 : i1 to i32
    %cond3A_18 = arith.constant 0 : i32
    %cond3A_19 = arith.cmpi ne, %convert_element_type3A_17, %cond3A_18 : i32
    scf.if %cond3A_19 {
      "tpu.region"() ({
        %run_scoped3A = tpu.sem_alloc : memref<!tpu.dma_semaphore, #tpu.memory_space<semaphore_mem>>
        %dma_start3A_161 = arith.constant 124928 : i32
        %dma_start3A_162 = tpu.memref_slice %arg11[%dma_start3A_161] : memref<1000064xf32, #tpu.memory_space<vmem_shared>> -> memref<62464xf32, #tpu.memory_space<vmem_shared>>
        %dma_start3A_163 = arith.constant 124928 : i32
        %dma_start3A_164 = tpu.memref_slice %arg4[%dma_start3A_163] : memref<1000000xf32, #tpu.memory_space<hbm>> -> memref<62464xf32, #tpu.memory_space<hbm>>
        tpu.enqueue_dma source(%dma_start3A_164 : memref<62464xf32, #tpu.memory_space<hbm>>) target(%dma_start3A_162 : memref<62464xf32, #tpu.memory_space<vmem_shared>>) target_semaphore(%run_scoped3A : memref<!tpu.dma_semaphore, #tpu.memory_space<semaphore_mem>>)
        %dma_wait3A = arith.constant 124928 : i32
        %dma_wait3A_165 = tpu.memref_slice %arg11[%dma_wait3A] : memref<1000064xf32, #tpu.memory_space<vmem_shared>> -> memref<62464xf32, #tpu.memory_space<vmem_shared>>
        %dma_wait3A_166 = arith.constant 124928 : i32
        %dma_wait3A_167 = tpu.memref_slice %arg4[%dma_wait3A_166] : memref<1000000xf32, #tpu.memory_space<hbm>> -> memref<62464xf32, #tpu.memory_space<hbm>>
        tpu.wait_dma2 semaphore(%run_scoped3A : memref<!tpu.dma_semaphore, #tpu.memory_space<semaphore_mem>>) src(%dma_wait3A_167 : memref<62464xf32, #tpu.memory_space<hbm>>) dst(%dma_wait3A_165 : memref<62464xf32, #tpu.memory_space<vmem_shared>>)
        tpu.yield
      }) : () -> ()
    } else {
    }
    %eq3A_20 = arith.constant 3 : i32
    %eq3A_21 = arith.cmpi eq, %arg1, %eq3A_20 : i32
    %convert_element_type3A_22 = arith.extui %eq3A_21 : i1 to i32
    %cond3A_23 = arith.constant 0 : i32
    %cond3A_24 = arith.cmpi ne, %convert_element_type3A_22, %cond3A_23 : i32
    scf.if %cond3A_24 {
      "tpu.region"() ({
        %run_scoped3A = tpu.sem_alloc : memref<!tpu.dma_semaphore, #tpu.memory_space<semaphore_mem>>
        %dma_start3A_161 = arith.constant 187392 : i32
        %dma_start3A_162 = tpu.memref_slice %arg11[%dma_start3A_161] : memref<1000064xf32, #tpu.memory_space<vmem_shared>> -> memref<62464xf32, #tpu.memory_space<vmem_shared>>
        %dma_start3A_163 = arith.constant 187392 : i32
        %dma_start3A_164 = tpu.memref_slice %arg4[%dma_start3A_163] : memref<1000000xf32, #tpu.memory_space<hbm>> -> memref<62464xf32, #tpu.memory_space<hbm>>
        tpu.enqueue_dma source(%dma_start3A_164 : memref<62464xf32, #tpu.memory_space<hbm>>) target(%dma_start3A_162 : memref<62464xf32, #tpu.memory_space<vmem_shared>>) target_semaphore(%run_scoped3A : memref<!tpu.dma_semaphore, #tpu.memory_space<semaphore_mem>>)
        %dma_wait3A = arith.constant 187392 : i32
        %dma_wait3A_165 = tpu.memref_slice %arg11[%dma_wait3A] : memref<1000064xf32, #tpu.memory_space<vmem_shared>> -> memref<62464xf32, #tpu.memory_space<vmem_shared>>
        %dma_wait3A_166 = arith.constant 187392 : i32
        %dma_wait3A_167 = tpu.memref_slice %arg4[%dma_wait3A_166] : memref<1000000xf32, #tpu.memory_space<hbm>> -> memref<62464xf32, #tpu.memory_space<hbm>>
        tpu.wait_dma2 semaphore(%run_scoped3A : memref<!tpu.dma_semaphore, #tpu.memory_space<semaphore_mem>>) src(%dma_wait3A_167 : memref<62464xf32, #tpu.memory_space<hbm>>) dst(%dma_wait3A_165 : memref<62464xf32, #tpu.memory_space<vmem_shared>>)
        tpu.yield
      }) : () -> ()
    } else {
    }
    %eq3A_25 = arith.constant 4 : i32
    %eq3A_26 = arith.cmpi eq, %arg1, %eq3A_25 : i32
    %convert_element_type3A_27 = arith.extui %eq3A_26 : i1 to i32
    %cond3A_28 = arith.constant 0 : i32
    %cond3A_29 = arith.cmpi ne, %convert_element_type3A_27, %cond3A_28 : i32
    scf.if %cond3A_29 {
      "tpu.region"() ({
        %run_scoped3A = tpu.sem_alloc : memref<!tpu.dma_semaphore, #tpu.memory_space<semaphore_mem>>
        %dma_start3A_161 = arith.constant 249856 : i32
        %dma_start3A_162 = tpu.memref_slice %arg11[%dma_start3A_161] : memref<1000064xf32, #tpu.memory_space<vmem_shared>> -> memref<62464xf32, #tpu.memory_space<vmem_shared>>
        %dma_start3A_163 = arith.constant 249856 : i32
        %dma_start3A_164 = tpu.memref_slice %arg4[%dma_start3A_163] : memref<1000000xf32, #tpu.memory_space<hbm>> -> memref<62464xf32, #tpu.memory_space<hbm>>
        tpu.enqueue_dma source(%dma_start3A_164 : memref<62464xf32, #tpu.memory_space<hbm>>) target(%dma_start3A_162 : memref<62464xf32, #tpu.memory_space<vmem_shared>>) target_semaphore(%run_scoped3A : memref<!tpu.dma_semaphore, #tpu.memory_space<semaphore_mem>>)
        %dma_wait3A = arith.constant 249856 : i32
        %dma_wait3A_165 = tpu.memref_slice %arg11[%dma_wait3A] : memref<1000064xf32, #tpu.memory_space<vmem_shared>> -> memref<62464xf32, #tpu.memory_space<vmem_shared>>
        %dma_wait3A_166 = arith.constant 249856 : i32
        %dma_wait3A_167 = tpu.memref_slice %arg4[%dma_wait3A_166] : memref<1000000xf32, #tpu.memory_space<hbm>> -> memref<62464xf32, #tpu.memory_space<hbm>>
        tpu.wait_dma2 semaphore(%run_scoped3A : memref<!tpu.dma_semaphore, #tpu.memory_space<semaphore_mem>>) src(%dma_wait3A_167 : memref<62464xf32, #tpu.memory_space<hbm>>) dst(%dma_wait3A_165 : memref<62464xf32, #tpu.memory_space<vmem_shared>>)
        tpu.yield
      }) : () -> ()
    } else {
    }
    %eq3A_30 = arith.constant 5 : i32
    %eq3A_31 = arith.cmpi eq, %arg1, %eq3A_30 : i32
    %convert_element_type3A_32 = arith.extui %eq3A_31 : i1 to i32
    %cond3A_33 = arith.constant 0 : i32
    %cond3A_34 = arith.cmpi ne, %convert_element_type3A_32, %cond3A_33 : i32
    scf.if %cond3A_34 {
      "tpu.region"() ({
        %run_scoped3A = tpu.sem_alloc : memref<!tpu.dma_semaphore, #tpu.memory_space<semaphore_mem>>
        %dma_start3A_161 = arith.constant 312320 : i32
        %dma_start3A_162 = tpu.memref_slice %arg11[%dma_start3A_161] : memref<1000064xf32, #tpu.memory_space<vmem_shared>> -> memref<62464xf32, #tpu.memory_space<vmem_shared>>
        %dma_start3A_163 = arith.constant 312320 : i32
        %dma_start3A_164 = tpu.memref_slice %arg4[%dma_start3A_163] : memref<1000000xf32, #tpu.memory_space<hbm>> -> memref<62464xf32, #tpu.memory_space<hbm>>
        tpu.enqueue_dma source(%dma_start3A_164 : memref<62464xf32, #tpu.memory_space<hbm>>) target(%dma_start3A_162 : memref<62464xf32, #tpu.memory_space<vmem_shared>>) target_semaphore(%run_scoped3A : memref<!tpu.dma_semaphore, #tpu.memory_space<semaphore_mem>>)
        %dma_wait3A = arith.constant 312320 : i32
        %dma_wait3A_165 = tpu.memref_slice %arg11[%dma_wait3A] : memref<1000064xf32, #tpu.memory_space<vmem_shared>> -> memref<62464xf32, #tpu.memory_space<vmem_shared>>
        %dma_wait3A_166 = arith.constant 312320 : i32
        %dma_wait3A_167 = tpu.memref_slice %arg4[%dma_wait3A_166] : memref<1000000xf32, #tpu.memory_space<hbm>> -> memref<62464xf32, #tpu.memory_space<hbm>>
        tpu.wait_dma2 semaphore(%run_scoped3A : memref<!tpu.dma_semaphore, #tpu.memory_space<semaphore_mem>>) src(%dma_wait3A_167 : memref<62464xf32, #tpu.memory_space<hbm>>) dst(%dma_wait3A_165 : memref<62464xf32, #tpu.memory_space<vmem_shared>>)
        tpu.yield
      }) : () -> ()
    } else {
    }
    %eq3A_35 = arith.constant 6 : i32
    %eq3A_36 = arith.cmpi eq, %arg1, %eq3A_35 : i32
    %convert_element_type3A_37 = arith.extui %eq3A_36 : i1 to i32
    %cond3A_38 = arith.constant 0 : i32
    %cond3A_39 = arith.cmpi ne, %convert_element_type3A_37, %cond3A_38 : i32
    scf.if %cond3A_39 {
      "tpu.region"() ({
        %run_scoped3A = tpu.sem_alloc : memref<!tpu.dma_semaphore, #tpu.memory_space<semaphore_mem>>
        %dma_start3A_161 = arith.constant 374784 : i32
        %dma_start3A_162 = tpu.memref_slice %arg11[%dma_start3A_161] : memref<1000064xf32, #tpu.memory_space<vmem_shared>> -> memref<62464xf32, #tpu.memory_space<vmem_shared>>
        %dma_start3A_163 = arith.constant 374784 : i32
        %dma_start3A_164 = tpu.memref_slice %arg4[%dma_start3A_163] : memref<1000000xf32, #tpu.memory_space<hbm>> -> memref<62464xf32, #tpu.memory_space<hbm>>
        tpu.enqueue_dma source(%dma_start3A_164 : memref<62464xf32, #tpu.memory_space<hbm>>) target(%dma_start3A_162 : memref<62464xf32, #tpu.memory_space<vmem_shared>>) target_semaphore(%run_scoped3A : memref<!tpu.dma_semaphore, #tpu.memory_space<semaphore_mem>>)
        %dma_wait3A = arith.constant 374784 : i32
        %dma_wait3A_165 = tpu.memref_slice %arg11[%dma_wait3A] : memref<1000064xf32, #tpu.memory_space<vmem_shared>> -> memref<62464xf32, #tpu.memory_space<vmem_shared>>
        %dma_wait3A_166 = arith.constant 374784 : i32
        %dma_wait3A_167 = tpu.memref_slice %arg4[%dma_wait3A_166] : memref<1000000xf32, #tpu.memory_space<hbm>> -> memref<62464xf32, #tpu.memory_space<hbm>>
        tpu.wait_dma2 semaphore(%run_scoped3A : memref<!tpu.dma_semaphore, #tpu.memory_space<semaphore_mem>>) src(%dma_wait3A_167 : memref<62464xf32, #tpu.memory_space<hbm>>) dst(%dma_wait3A_165 : memref<62464xf32, #tpu.memory_space<vmem_shared>>)
        tpu.yield
      }) : () -> ()
    } else {
    }
    %eq3A_40 = arith.constant 7 : i32
    %eq3A_41 = arith.cmpi eq, %arg1, %eq3A_40 : i32
    %convert_element_type3A_42 = arith.extui %eq3A_41 : i1 to i32
    %cond3A_43 = arith.constant 0 : i32
    %cond3A_44 = arith.cmpi ne, %convert_element_type3A_42, %cond3A_43 : i32
    scf.if %cond3A_44 {
      "tpu.region"() ({
        %run_scoped3A = tpu.sem_alloc : memref<!tpu.dma_semaphore, #tpu.memory_space<semaphore_mem>>
        %dma_start3A_161 = arith.constant 437248 : i32
        %dma_start3A_162 = tpu.memref_slice %arg11[%dma_start3A_161] : memref<1000064xf32, #tpu.memory_space<vmem_shared>> -> memref<62464xf32, #tpu.memory_space<vmem_shared>>
        %dma_start3A_163 = arith.constant 437248 : i32
        %dma_start3A_164 = tpu.memref_slice %arg4[%dma_start3A_163] : memref<1000000xf32, #tpu.memory_space<hbm>> -> memref<62464xf32, #tpu.memory_space<hbm>>
        tpu.enqueue_dma source(%dma_start3A_164 : memref<62464xf32, #tpu.memory_space<hbm>>) target(%dma_start3A_162 : memref<62464xf32, #tpu.memory_space<vmem_shared>>) target_semaphore(%run_scoped3A : memref<!tpu.dma_semaphore, #tpu.memory_space<semaphore_mem>>)
        %dma_wait3A = arith.constant 437248 : i32
        %dma_wait3A_165 = tpu.memref_slice %arg11[%dma_wait3A] : memref<1000064xf32, #tpu.memory_space<vmem_shared>> -> memref<62464xf32, #tpu.memory_space<vmem_shared>>
        %dma_wait3A_166 = arith.constant 437248 : i32
        %dma_wait3A_167 = tpu.memref_slice %arg4[%dma_wait3A_166] : memref<1000000xf32, #tpu.memory_space<hbm>> -> memref<62464xf32, #tpu.memory_space<hbm>>
        tpu.wait_dma2 semaphore(%run_scoped3A : memref<!tpu.dma_semaphore, #tpu.memory_space<semaphore_mem>>) src(%dma_wait3A_167 : memref<62464xf32, #tpu.memory_space<hbm>>) dst(%dma_wait3A_165 : memref<62464xf32, #tpu.memory_space<vmem_shared>>)
        tpu.yield
      }) : () -> ()
    } else {
    }
    %eq3A_45 = arith.constant 8 : i32
    %eq3A_46 = arith.cmpi eq, %arg1, %eq3A_45 : i32
    %convert_element_type3A_47 = arith.extui %eq3A_46 : i1 to i32
    %cond3A_48 = arith.constant 0 : i32
    %cond3A_49 = arith.cmpi ne, %convert_element_type3A_47, %cond3A_48 : i32
    scf.if %cond3A_49 {
      "tpu.region"() ({
        %run_scoped3A = tpu.sem_alloc : memref<!tpu.dma_semaphore, #tpu.memory_space<semaphore_mem>>
        %dma_start3A_161 = arith.constant 499712 : i32
        %dma_start3A_162 = tpu.memref_slice %arg11[%dma_start3A_161] : memref<1000064xf32, #tpu.memory_space<vmem_shared>> -> memref<62464xf32, #tpu.memory_space<vmem_shared>>
        %dma_start3A_163 = arith.constant 499712 : i32
        %dma_start3A_164 = tpu.memref_slice %arg4[%dma_start3A_163] : memref<1000000xf32, #tpu.memory_space<hbm>> -> memref<62464xf32, #tpu.memory_space<hbm>>
        tpu.enqueue_dma source(%dma_start3A_164 : memref<62464xf32, #tpu.memory_space<hbm>>) target(%dma_start3A_162 : memref<62464xf32, #tpu.memory_space<vmem_shared>>) target_semaphore(%run_scoped3A : memref<!tpu.dma_semaphore, #tpu.memory_space<semaphore_mem>>)
        %dma_wait3A = arith.constant 499712 : i32
        %dma_wait3A_165 = tpu.memref_slice %arg11[%dma_wait3A] : memref<1000064xf32, #tpu.memory_space<vmem_shared>> -> memref<62464xf32, #tpu.memory_space<vmem_shared>>
        %dma_wait3A_166 = arith.constant 499712 : i32
        %dma_wait3A_167 = tpu.memref_slice %arg4[%dma_wait3A_166] : memref<1000000xf32, #tpu.memory_space<hbm>> -> memref<62464xf32, #tpu.memory_space<hbm>>
        tpu.wait_dma2 semaphore(%run_scoped3A : memref<!tpu.dma_semaphore, #tpu.memory_space<semaphore_mem>>) src(%dma_wait3A_167 : memref<62464xf32, #tpu.memory_space<hbm>>) dst(%dma_wait3A_165 : memref<62464xf32, #tpu.memory_space<vmem_shared>>)
        tpu.yield
      }) : () -> ()
    } else {
    }
    %eq3A_50 = arith.constant 9 : i32
    %eq3A_51 = arith.cmpi eq, %arg1, %eq3A_50 : i32
    %convert_element_type3A_52 = arith.extui %eq3A_51 : i1 to i32
    %cond3A_53 = arith.constant 0 : i32
    %cond3A_54 = arith.cmpi ne, %convert_element_type3A_52, %cond3A_53 : i32
    scf.if %cond3A_54 {
      "tpu.region"() ({
        %run_scoped3A = tpu.sem_alloc : memref<!tpu.dma_semaphore, #tpu.memory_space<semaphore_mem>>
        %dma_start3A_161 = arith.constant 562176 : i32
        %dma_start3A_162 = tpu.memref_slice %arg11[%dma_start3A_161] : memref<1000064xf32, #tpu.memory_space<vmem_shared>> -> memref<62464xf32, #tpu.memory_space<vmem_shared>>
        %dma_start3A_163 = arith.constant 562176 : i32
        %dma_start3A_164 = tpu.memref_slice %arg4[%dma_start3A_163] : memref<1000000xf32, #tpu.memory_space<hbm>> -> memref<62464xf32, #tpu.memory_space<hbm>>
        tpu.enqueue_dma source(%dma_start3A_164 : memref<62464xf32, #tpu.memory_space<hbm>>) target(%dma_start3A_162 : memref<62464xf32, #tpu.memory_space<vmem_shared>>) target_semaphore(%run_scoped3A : memref<!tpu.dma_semaphore, #tpu.memory_space<semaphore_mem>>)
        %dma_wait3A = arith.constant 562176 : i32
        %dma_wait3A_165 = tpu.memref_slice %arg11[%dma_wait3A] : memref<1000064xf32, #tpu.memory_space<vmem_shared>> -> memref<62464xf32, #tpu.memory_space<vmem_shared>>
        %dma_wait3A_166 = arith.constant 562176 : i32
        %dma_wait3A_167 = tpu.memref_slice %arg4[%dma_wait3A_166] : memref<1000000xf32, #tpu.memory_space<hbm>> -> memref<62464xf32, #tpu.memory_space<hbm>>
        tpu.wait_dma2 semaphore(%run_scoped3A : memref<!tpu.dma_semaphore, #tpu.memory_space<semaphore_mem>>) src(%dma_wait3A_167 : memref<62464xf32, #tpu.memory_space<hbm>>) dst(%dma_wait3A_165 : memref<62464xf32, #tpu.memory_space<vmem_shared>>)
        tpu.yield
      }) : () -> ()
    } else {
    }
    %eq3A_55 = arith.constant 10 : i32
    %eq3A_56 = arith.cmpi eq, %arg1, %eq3A_55 : i32
    %convert_element_type3A_57 = arith.extui %eq3A_56 : i1 to i32
    %cond3A_58 = arith.constant 0 : i32
    %cond3A_59 = arith.cmpi ne, %convert_element_type3A_57, %cond3A_58 : i32
    scf.if %cond3A_59 {
      "tpu.region"() ({
        %run_scoped3A = tpu.sem_alloc : memref<!tpu.dma_semaphore, #tpu.memory_space<semaphore_mem>>
        %dma_start3A_161 = arith.constant 624640 : i32
        %dma_start3A_162 = tpu.memref_slice %arg11[%dma_start3A_161] : memref<1000064xf32, #tpu.memory_space<vmem_shared>> -> memref<62464xf32, #tpu.memory_space<vmem_shared>>
        %dma_start3A_163 = arith.constant 624640 : i32
        %dma_start3A_164 = tpu.memref_slice %arg4[%dma_start3A_163] : memref<1000000xf32, #tpu.memory_space<hbm>> -> memref<62464xf32, #tpu.memory_space<hbm>>
        tpu.enqueue_dma source(%dma_start3A_164 : memref<62464xf32, #tpu.memory_space<hbm>>) target(%dma_start3A_162 : memref<62464xf32, #tpu.memory_space<vmem_shared>>) target_semaphore(%run_scoped3A : memref<!tpu.dma_semaphore, #tpu.memory_space<semaphore_mem>>)
        %dma_wait3A = arith.constant 624640 : i32
        %dma_wait3A_165 = tpu.memref_slice %arg11[%dma_wait3A] : memref<1000064xf32, #tpu.memory_space<vmem_shared>> -> memref<62464xf32, #tpu.memory_space<vmem_shared>>
        %dma_wait3A_166 = arith.constant 624640 : i32
        %dma_wait3A_167 = tpu.memref_slice %arg4[%dma_wait3A_166] : memref<1000000xf32, #tpu.memory_space<hbm>> -> memref<62464xf32, #tpu.memory_space<hbm>>
        tpu.wait_dma2 semaphore(%run_scoped3A : memref<!tpu.dma_semaphore, #tpu.memory_space<semaphore_mem>>) src(%dma_wait3A_167 : memref<62464xf32, #tpu.memory_space<hbm>>) dst(%dma_wait3A_165 : memref<62464xf32, #tpu.memory_space<vmem_shared>>)
        tpu.yield
      }) : () -> ()
    } else {
    }
    %eq3A_60 = arith.constant 11 : i32
    %eq3A_61 = arith.cmpi eq, %arg1, %eq3A_60 : i32
    %convert_element_type3A_62 = arith.extui %eq3A_61 : i1 to i32
    %cond3A_63 = arith.constant 0 : i32
    %cond3A_64 = arith.cmpi ne, %convert_element_type3A_62, %cond3A_63 : i32
    scf.if %cond3A_64 {
      "tpu.region"() ({
        %run_scoped3A = tpu.sem_alloc : memref<!tpu.dma_semaphore, #tpu.memory_space<semaphore_mem>>
        %dma_start3A_161 = arith.constant 687104 : i32
        %dma_start3A_162 = tpu.memref_slice %arg11[%dma_start3A_161] : memref<1000064xf32, #tpu.memory_space<vmem_shared>> -> memref<62464xf32, #tpu.memory_space<vmem_shared>>
        %dma_start3A_163 = arith.constant 687104 : i32
        %dma_start3A_164 = tpu.memref_slice %arg4[%dma_start3A_163] : memref<1000000xf32, #tpu.memory_space<hbm>> -> memref<62464xf32, #tpu.memory_space<hbm>>
        tpu.enqueue_dma source(%dma_start3A_164 : memref<62464xf32, #tpu.memory_space<hbm>>) target(%dma_start3A_162 : memref<62464xf32, #tpu.memory_space<vmem_shared>>) target_semaphore(%run_scoped3A : memref<!tpu.dma_semaphore, #tpu.memory_space<semaphore_mem>>)
        %dma_wait3A = arith.constant 687104 : i32
        %dma_wait3A_165 = tpu.memref_slice %arg11[%dma_wait3A] : memref<1000064xf32, #tpu.memory_space<vmem_shared>> -> memref<62464xf32, #tpu.memory_space<vmem_shared>>
        %dma_wait3A_166 = arith.constant 687104 : i32
        %dma_wait3A_167 = tpu.memref_slice %arg4[%dma_wait3A_166] : memref<1000000xf32, #tpu.memory_space<hbm>> -> memref<62464xf32, #tpu.memory_space<hbm>>
        tpu.wait_dma2 semaphore(%run_scoped3A : memref<!tpu.dma_semaphore, #tpu.memory_space<semaphore_mem>>) src(%dma_wait3A_167 : memref<62464xf32, #tpu.memory_space<hbm>>) dst(%dma_wait3A_165 : memref<62464xf32, #tpu.memory_space<vmem_shared>>)
        tpu.yield
      }) : () -> ()
    } else {
    }
    %eq3A_65 = arith.constant 12 : i32
    %eq3A_66 = arith.cmpi eq, %arg1, %eq3A_65 : i32
    %convert_element_type3A_67 = arith.extui %eq3A_66 : i1 to i32
    %cond3A_68 = arith.constant 0 : i32
    %cond3A_69 = arith.cmpi ne, %convert_element_type3A_67, %cond3A_68 : i32
    scf.if %cond3A_69 {
      "tpu.region"() ({
        %run_scoped3A = tpu.sem_alloc : memref<!tpu.dma_semaphore, #tpu.memory_space<semaphore_mem>>
        %dma_start3A_161 = arith.constant 749568 : i32
        %dma_start3A_162 = tpu.memref_slice %arg11[%dma_start3A_161] : memref<1000064xf32, #tpu.memory_space<vmem_shared>> -> memref<62592xf32, #tpu.memory_space<vmem_shared>>
        %dma_start3A_163 = arith.constant 749568 : i32
        %dma_start3A_164 = tpu.memref_slice %arg4[%dma_start3A_163] : memref<1000000xf32, #tpu.memory_space<hbm>> -> memref<62592xf32, #tpu.memory_space<hbm>>
        tpu.enqueue_dma source(%dma_start3A_164 : memref<62592xf32, #tpu.memory_space<hbm>>) target(%dma_start3A_162 : memref<62592xf32, #tpu.memory_space<vmem_shared>>) target_semaphore(%run_scoped3A : memref<!tpu.dma_semaphore, #tpu.memory_space<semaphore_mem>>)
        %dma_wait3A = arith.constant 749568 : i32
        %dma_wait3A_165 = tpu.memref_slice %arg11[%dma_wait3A] : memref<1000064xf32, #tpu.memory_space<vmem_shared>> -> memref<62592xf32, #tpu.memory_space<vmem_shared>>
        %dma_wait3A_166 = arith.constant 749568 : i32
        %dma_wait3A_167 = tpu.memref_slice %arg4[%dma_wait3A_166] : memref<1000000xf32, #tpu.memory_space<hbm>> -> memref<62592xf32, #tpu.memory_space<hbm>>
        tpu.wait_dma2 semaphore(%run_scoped3A : memref<!tpu.dma_semaphore, #tpu.memory_space<semaphore_mem>>) src(%dma_wait3A_167 : memref<62592xf32, #tpu.memory_space<hbm>>) dst(%dma_wait3A_165 : memref<62592xf32, #tpu.memory_space<vmem_shared>>)
        tpu.yield
      }) : () -> ()
    } else {
    }
    %eq3A_70 = arith.constant 13 : i32
    %eq3A_71 = arith.cmpi eq, %arg1, %eq3A_70 : i32
    %convert_element_type3A_72 = arith.extui %eq3A_71 : i1 to i32
    %cond3A_73 = arith.constant 0 : i32
    %cond3A_74 = arith.cmpi ne, %convert_element_type3A_72, %cond3A_73 : i32
    scf.if %cond3A_74 {
      "tpu.region"() ({
        %run_scoped3A = tpu.sem_alloc : memref<!tpu.dma_semaphore, #tpu.memory_space<semaphore_mem>>
        %dma_start3A_161 = arith.constant 812160 : i32
        %dma_start3A_162 = tpu.memref_slice %arg11[%dma_start3A_161] : memref<1000064xf32, #tpu.memory_space<vmem_shared>> -> memref<62592xf32, #tpu.memory_space<vmem_shared>>
        %dma_start3A_163 = arith.constant 812160 : i32
        %dma_start3A_164 = tpu.memref_slice %arg4[%dma_start3A_163] : memref<1000000xf32, #tpu.memory_space<hbm>> -> memref<62592xf32, #tpu.memory_space<hbm>>
        tpu.enqueue_dma source(%dma_start3A_164 : memref<62592xf32, #tpu.memory_space<hbm>>) target(%dma_start3A_162 : memref<62592xf32, #tpu.memory_space<vmem_shared>>) target_semaphore(%run_scoped3A : memref<!tpu.dma_semaphore, #tpu.memory_space<semaphore_mem>>)
        %dma_wait3A = arith.constant 812160 : i32
        %dma_wait3A_165 = tpu.memref_slice %arg11[%dma_wait3A] : memref<1000064xf32, #tpu.memory_space<vmem_shared>> -> memref<62592xf32, #tpu.memory_space<vmem_shared>>
        %dma_wait3A_166 = arith.constant 812160 : i32
        %dma_wait3A_167 = tpu.memref_slice %arg4[%dma_wait3A_166] : memref<1000000xf32, #tpu.memory_space<hbm>> -> memref<62592xf32, #tpu.memory_space<hbm>>
        tpu.wait_dma2 semaphore(%run_scoped3A : memref<!tpu.dma_semaphore, #tpu.memory_space<semaphore_mem>>) src(%dma_wait3A_167 : memref<62592xf32, #tpu.memory_space<hbm>>) dst(%dma_wait3A_165 : memref<62592xf32, #tpu.memory_space<vmem_shared>>)
        tpu.yield
      }) : () -> ()
    } else {
    }
    %eq3A_75 = arith.constant 14 : i32
    %eq3A_76 = arith.cmpi eq, %arg1, %eq3A_75 : i32
    %convert_element_type3A_77 = arith.extui %eq3A_76 : i1 to i32
    %cond3A_78 = arith.constant 0 : i32
    %cond3A_79 = arith.cmpi ne, %convert_element_type3A_77, %cond3A_78 : i32
    scf.if %cond3A_79 {
      "tpu.region"() ({
        %run_scoped3A = tpu.sem_alloc : memref<!tpu.dma_semaphore, #tpu.memory_space<semaphore_mem>>
        %dma_start3A_161 = arith.constant 874752 : i32
        %dma_start3A_162 = tpu.memref_slice %arg11[%dma_start3A_161] : memref<1000064xf32, #tpu.memory_space<vmem_shared>> -> memref<62592xf32, #tpu.memory_space<vmem_shared>>
        %dma_start3A_163 = arith.constant 874752 : i32
        %dma_start3A_164 = tpu.memref_slice %arg4[%dma_start3A_163] : memref<1000000xf32, #tpu.memory_space<hbm>> -> memref<62592xf32, #tpu.memory_space<hbm>>
        tpu.enqueue_dma source(%dma_start3A_164 : memref<62592xf32, #tpu.memory_space<hbm>>) target(%dma_start3A_162 : memref<62592xf32, #tpu.memory_space<vmem_shared>>) target_semaphore(%run_scoped3A : memref<!tpu.dma_semaphore, #tpu.memory_space<semaphore_mem>>)
        %dma_wait3A = arith.constant 874752 : i32
        %dma_wait3A_165 = tpu.memref_slice %arg11[%dma_wait3A] : memref<1000064xf32, #tpu.memory_space<vmem_shared>> -> memref<62592xf32, #tpu.memory_space<vmem_shared>>
        %dma_wait3A_166 = arith.constant 874752 : i32
        %dma_wait3A_167 = tpu.memref_slice %arg4[%dma_wait3A_166] : memref<1000000xf32, #tpu.memory_space<hbm>> -> memref<62592xf32, #tpu.memory_space<hbm>>
        tpu.wait_dma2 semaphore(%run_scoped3A : memref<!tpu.dma_semaphore, #tpu.memory_space<semaphore_mem>>) src(%dma_wait3A_167 : memref<62592xf32, #tpu.memory_space<hbm>>) dst(%dma_wait3A_165 : memref<62592xf32, #tpu.memory_space<vmem_shared>>)
        tpu.yield
      }) : () -> ()
    } else {
    }
    %eq3A_80 = arith.constant 15 : i32
    %eq3A_81 = arith.cmpi eq, %arg1, %eq3A_80 : i32
    %convert_element_type3A_82 = arith.extui %eq3A_81 : i1 to i32
    %cond3A_83 = arith.constant 0 : i32
    %cond3A_84 = arith.cmpi ne, %convert_element_type3A_82, %cond3A_83 : i32
    scf.if %cond3A_84 {
      "tpu.region"() ({
        %run_scoped3A = tpu.sem_alloc : memref<!tpu.dma_semaphore, #tpu.memory_space<semaphore_mem>>
        %dma_start3A_161 = arith.constant 937344 : i32
        %dma_start3A_162 = tpu.memref_slice %arg11[%dma_start3A_161] : memref<1000064xf32, #tpu.memory_space<vmem_shared>> -> memref<62592xf32, #tpu.memory_space<vmem_shared>>
        %dma_start3A_163 = arith.constant 937344 : i32
        %dma_start3A_164 = tpu.memref_slice %arg4[%dma_start3A_163] : memref<1000000xf32, #tpu.memory_space<hbm>> -> memref<62592xf32, #tpu.memory_space<hbm>>
        tpu.enqueue_dma source(%dma_start3A_164 : memref<62592xf32, #tpu.memory_space<hbm>>) target(%dma_start3A_162 : memref<62592xf32, #tpu.memory_space<vmem_shared>>) target_semaphore(%run_scoped3A : memref<!tpu.dma_semaphore, #tpu.memory_space<semaphore_mem>>)
        %dma_wait3A = arith.constant 937344 : i32
        %dma_wait3A_165 = tpu.memref_slice %arg11[%dma_wait3A] : memref<1000064xf32, #tpu.memory_space<vmem_shared>> -> memref<62592xf32, #tpu.memory_space<vmem_shared>>
        %dma_wait3A_166 = arith.constant 937344 : i32
        %dma_wait3A_167 = tpu.memref_slice %arg4[%dma_wait3A_166] : memref<1000000xf32, #tpu.memory_space<hbm>> -> memref<62592xf32, #tpu.memory_space<hbm>>
        tpu.wait_dma2 semaphore(%run_scoped3A : memref<!tpu.dma_semaphore, #tpu.memory_space<semaphore_mem>>) src(%dma_wait3A_167 : memref<62592xf32, #tpu.memory_space<hbm>>) dst(%dma_wait3A_165 : memref<62592xf32, #tpu.memory_space<vmem_shared>>)
        tpu.yield
      }) : () -> ()
    } else {
    }
    %eq3A_85 = arith.constant 0 : i32
    %eq3A_86 = arith.cmpi eq, %arg1, %eq3A_85 : i32
    %convert_element_type3A_87 = arith.extui %eq3A_86 : i1 to i32
    %cond3A_88 = arith.constant 0 : i32
    %cond3A_89 = arith.cmpi ne, %convert_element_type3A_87, %cond3A_88 : i32
    scf.if %cond3A_89 {
      "tpu.region"() ({
        %run_scoped3A = tpu.sem_alloc : memref<!tpu.dma_semaphore, #tpu.memory_space<semaphore_mem>>
        %dma_start3A_161 = arith.constant 999936 : i32
        %dma_start3A_162 = tpu.memref_slice %arg11[%dma_start3A_161] : memref<1000064xf32, #tpu.memory_space<vmem_shared>> -> memref<128xf32, #tpu.memory_space<vmem_shared>>
        tpu.enqueue_dma source(%arg6 : memref<128xf32, #tpu.memory_space<hbm>>) target(%dma_start3A_162 : memref<128xf32, #tpu.memory_space<vmem_shared>>) target_semaphore(%run_scoped3A : memref<!tpu.dma_semaphore, #tpu.memory_space<semaphore_mem>>)
        %dma_wait3A = arith.constant 999936 : i32
        %dma_wait3A_163 = tpu.memref_slice %arg11[%dma_wait3A] : memref<1000064xf32, #tpu.memory_space<vmem_shared>> -> memref<128xf32, #tpu.memory_space<vmem_shared>>
        tpu.wait_dma2 semaphore(%run_scoped3A : memref<!tpu.dma_semaphore, #tpu.memory_space<semaphore_mem>>) src(%arg6 : memref<128xf32, #tpu.memory_space<hbm>>) dst(%dma_wait3A_163 : memref<128xf32, #tpu.memory_space<vmem_shared>>)
        tpu.yield
      }) : () -> ()
    } else {
    }
    %barrier3A = arith.constant 0 : index
    tpu.barrier barrier_id(%barrier3A)
    %mul3A_90 = arith.constant 25 : i32
    %mul3A_91 = arith.muli %arg0, %mul3A_90 : i32
    %add3A = arith.constant 0 : i32
    %add3A_92 = arith.addi %mul3A_91, %add3A : i32
    %dma_start3A = arith.constant 0 : i32
    %dma_start3A_93 = tpu.memref_slice %arg10[%dma_start3A] : memref<8192xf32, #tpu.memory_space<vmem>> -> memref<128xf32, #tpu.memory_space<vmem>>
    %dma_start3A_94 = arith.constant 0 : i32
    %dma_start3A_95 = tpu.memref_slice %arg9[%add3A_92, %dma_start3A_94] : memref<50x1024xi32, #tpu.memory_space<vmem>> -> memref<1x128xi32, #tpu.memory_space<vmem>>
    %dma_start3A_96 = tpu.memref_squeeze %dma_start3A_95 : memref<1x128xi32, #tpu.memory_space<vmem>> -> memref<128xi32, #tpu.memory_space<vmem>>
    %dma_start3A_97 = arith.constant 0 : i32
    %dma_start3A_98 = tpu.memref_slice %arg11[%dma_start3A_97] : memref<1000064xf32, #tpu.memory_space<vmem_shared>> -> memref<1000064xf32, #tpu.memory_space<vmem_shared>>
    tpu.enqueue_indirect_dma source(%dma_start3A_98 : memref<1000064xf32, #tpu.memory_space<vmem_shared>>) target(%dma_start3A_93 : memref<128xf32, #tpu.memory_space<vmem>>) offsets(%dma_start3A_96 : memref<128xi32, #tpu.memory_space<vmem>>) semaphore(%arg12 : memref<!tpu.dma_semaphore, #tpu.memory_space<semaphore_mem>>)
    %dma_start3A_99 = arith.constant 128 : i32
    %dma_start3A_100 = tpu.memref_slice %arg10[%dma_start3A_99] : memref<8192xf32, #tpu.memory_space<vmem>> -> memref<128xf32, #tpu.memory_space<vmem>>
    %dma_start3A_101 = arith.constant 128 : i32
    %dma_start3A_102 = tpu.memref_slice %arg9[%add3A_92, %dma_start3A_101] : memref<50x1024xi32, #tpu.memory_space<vmem>> -> memref<1x128xi32, #tpu.memory_space<vmem>>
    %dma_start3A_103 = tpu.memref_squeeze %dma_start3A_102 : memref<1x128xi32, #tpu.memory_space<vmem>> -> memref<128xi32, #tpu.memory_space<vmem>>
    %dma_start3A_104 = arith.constant 0 : i32
    %dma_start3A_105 = tpu.memref_slice %arg11[%dma_start3A_104] : memref<1000064xf32, #tpu.memory_space<vmem_shared>> -> memref<1000064xf32, #tpu.memory_space<vmem_shared>>
    tpu.enqueue_indirect_dma source(%dma_start3A_105 : memref<1000064xf32, #tpu.memory_space<vmem_shared>>) target(%dma_start3A_100 : memref<128xf32, #tpu.memory_space<vmem>>) offsets(%dma_start3A_103 : memref<128xi32, #tpu.memory_space<vmem>>) semaphore(%arg12 : memref<!tpu.dma_semaphore, #tpu.memory_space<semaphore_mem>>)
    %dma_start3A_106 = arith.constant 256 : i32
    %dma_start3A_107 = tpu.memref_slice %arg10[%dma_start3A_106] : memref<8192xf32, #tpu.memory_space<vmem>> -> memref<128xf32, #tpu.memory_space<vmem>>
    %dma_start3A_108 = arith.constant 256 : i32
    %dma_start3A_109 = tpu.memref_slice %arg9[%add3A_92, %dma_start3A_108] : memref<50x1024xi32, #tpu.memory_space<vmem>> -> memref<1x128xi32, #tpu.memory_space<vmem>>
    %dma_start3A_110 = tpu.memref_squeeze %dma_start3A_109 : memref<1x128xi32, #tpu.memory_space<vmem>> -> memref<128xi32, #tpu.memory_space<vmem>>
    %dma_start3A_111 = arith.constant 0 : i32
    %dma_start3A_112 = tpu.memref_slice %arg11[%dma_start3A_111] : memref<1000064xf32, #tpu.memory_space<vmem_shared>> -> memref<1000064xf32, #tpu.memory_space<vmem_shared>>
    tpu.enqueue_indirect_dma source(%dma_start3A_112 : memref<1000064xf32, #tpu.memory_space<vmem_shared>>) target(%dma_start3A_107 : memref<128xf32, #tpu.memory_space<vmem>>) offsets(%dma_start3A_110 : memref<128xi32, #tpu.memory_space<vmem>>) semaphore(%arg12 : memref<!tpu.dma_semaphore, #tpu.memory_space<semaphore_mem>>)
    %dma_start3A_113 = arith.constant 384 : i32
    %dma_start3A_114 = tpu.memref_slice %arg10[%dma_start3A_113] : memref<8192xf32, #tpu.memory_space<vmem>> -> memref<128xf32, #tpu.memory_space<vmem>>
    %dma_start3A_115 = arith.constant 384 : i32
    %dma_start3A_116 = tpu.memref_slice %arg9[%add3A_92, %dma_start3A_115] : memref<50x1024xi32, #tpu.memory_space<vmem>> -> memref<1x128xi32, #tpu.memory_space<vmem>>
    %dma_start3A_117 = tpu.memref_squeeze %dma_start3A_116 : memref<1x128xi32, #tpu.memory_space<vmem>> -> memref<128xi32, #tpu.memory_space<vmem>>
    %dma_start3A_118 = arith.constant 0 : i32
    %dma_start3A_119 = tpu.memref_slice %arg11[%dma_start3A_118] : memref<1000064xf32, #tpu.memory_space<vmem_shared>> -> memref<1000064xf32, #tpu.memory_space<vmem_shared>>
    tpu.enqueue_indirect_dma source(%dma_start3A_119 : memref<1000064xf32, #tpu.memory_space<vmem_shared>>) target(%dma_start3A_114 : memref<128xf32, #tpu.memory_space<vmem>>) offsets(%dma_start3A_117 : memref<128xi32, #tpu.memory_space<vmem>>) semaphore(%arg12 : memref<!tpu.dma_semaphore, #tpu.memory_space<semaphore_mem>>)
    %dma_start3A_120 = arith.constant 512 : i32
    %dma_start3A_121 = tpu.memref_slice %arg10[%dma_start3A_120] : memref<8192xf32, #tpu.memory_space<vmem>> -> memref<128xf32, #tpu.memory_space<vmem>>
    %dma_start3A_122 = arith.constant 512 : i32
    %dma_start3A_123 = tpu.memref_slice %arg9[%add3A_92, %dma_start3A_122] : memref<50x1024xi32, #tpu.memory_space<vmem>> -> memref<1x128xi32, #tpu.memory_space<vmem>>
    %dma_start3A_124 = tpu.memref_squeeze %dma_start3A_123 : memref<1x128xi32, #tpu.memory_space<vmem>> -> memref<128xi32, #tpu.memory_space<vmem>>
    %dma_start3A_125 = arith.constant 0 : i32
    %dma_start3A_126 = tpu.memref_slice %arg11[%dma_start3A_125] : memref<1000064xf32, #tpu.memory_space<vmem_shared>> -> memref<1000064xf32, #tpu.memory_space<vmem_shared>>
    tpu.enqueue_indirect_dma source(%dma_start3A_126 : memref<1000064xf32, #tpu.memory_space<vmem_shared>>) target(%dma_start3A_121 : memref<128xf32, #tpu.memory_space<vmem>>) offsets(%dma_start3A_124 : memref<128xi32, #tpu.memory_space<vmem>>) semaphore(%arg12 : memref<!tpu.dma_semaphore, #tpu.memory_space<semaphore_mem>>)
    %dma_start3A_127 = arith.constant 640 : i32
    %dma_start3A_128 = tpu.memref_slice %arg10[%dma_start3A_127] : memref<8192xf32, #tpu.memory_space<vmem>> -> memref<128xf32, #tpu.memory_space<vmem>>
    %dma_start3A_129 = arith.constant 640 : i32
    %dma_start3A_130 = tpu.memref_slice %arg9[%add3A_92, %dma_start3A_129] : memref<50x1024xi32, #tpu.memory_space<vmem>> -> memref<1x128xi32, #tpu.memory_space<vmem>>
    %dma_start3A_131 = tpu.memref_squeeze %dma_start3A_130 : memref<1x128xi32, #tpu.memory_space<vmem>> -> memref<128xi32, #tpu.memory_space<vmem>>
    %dma_start3A_132 = arith.constant 0 : i32
    %dma_start3A_133 = tpu.memref_slice %arg11[%dma_start3A_132] : memref<1000064xf32, #tpu.memory_space<vmem_shared>> -> memref<1000064xf32, #tpu.memory_space<vmem_shared>>
    tpu.enqueue_indirect_dma source(%dma_start3A_133 : memref<1000064xf32, #tpu.memory_space<vmem_shared>>) target(%dma_start3A_128 : memref<128xf32, #tpu.memory_space<vmem>>) offsets(%dma_start3A_131 : memref<128xi32, #tpu.memory_space<vmem>>) semaphore(%arg12 : memref<!tpu.dma_semaphore, #tpu.memory_space<semaphore_mem>>)
    %dma_start3A_134 = arith.constant 768 : i32
    %dma_start3A_135 = tpu.memref_slice %arg10[%dma_start3A_134] : memref<8192xf32, #tpu.memory_space<vmem>> -> memref<128xf32, #tpu.memory_space<vmem>>
    %dma_start3A_136 = arith.constant 768 : i32
    %dma_start3A_137 = tpu.memref_slice %arg9[%add3A_92, %dma_start3A_136] : memref<50x1024xi32, #tpu.memory_space<vmem>> -> memref<1x128xi32, #tpu.memory_space<vmem>>
    %dma_start3A_138 = tpu.memref_squeeze %dma_start3A_137 : memref<1x128xi32, #tpu.memory_space<vmem>> -> memref<128xi32, #tpu.memory_space<vmem>>
    %dma_start3A_139 = arith.constant 0 : i32
    %dma_start3A_140 = tpu.memref_slice %arg11[%dma_start3A_139] : memref<1000064xf32, #tpu.memory_space<vmem_shared>> -> memref<1000064xf32, #tpu.memory_space<vmem_shared>>
    tpu.enqueue_indirect_dma source(%dma_start3A_140 : memref<1000064xf32, #tpu.memory_space<vmem_shared>>) target(%dma_start3A_135 : memref<128xf32, #tpu.memory_space<vmem>>) offsets(%dma_start3A_138 : memref<128xi32, #tpu.memory_space<vmem>>) semaphore(%arg12 : memref<!tpu.dma_semaphore, #tpu.memory_space<semaphore_mem>>)
    %dma_start3A_141 = arith.constant 896 : i32
    %dma_start3A_142 = tpu.memref_slice %arg10[%dma_start3A_141] : memref<8192xf32, #tpu.memory_space<vmem>> -> memref<128xf32, #tpu.memory_space<vmem>>
    %dma_start3A_143 = arith.constant 896 : i32
    %dma_start3A_144 = tpu.memref_slice %arg9[%add3A_92, %dma_start3A_143] : memref<50x1024xi32, #tpu.memory_space<vmem>> -> memref<1x128xi32, #tpu.memory_space<vmem>>
    %dma_start3A_145 = tpu.memref_squeeze %dma_start3A_144 : memref<1x128xi32, #tpu.memory_space<vmem>> -> memref<128xi32, #tpu.memory_space<vmem>>
    %dma_start3A_146 = arith.constant 0 : i32
    %dma_start3A_147 = tpu.memref_slice %arg11[%dma_start3A_146] : memref<1000064xf32, #tpu.memory_space<vmem_shared>> -> memref<1000064xf32, #tpu.memory_space<vmem_shared>>
    tpu.enqueue_indirect_dma source(%dma_start3A_147 : memref<1000064xf32, #tpu.memory_space<vmem_shared>>) target(%dma_start3A_142 : memref<128xf32, #tpu.memory_space<vmem>>) offsets(%dma_start3A_145 : memref<128xi32, #tpu.memory_space<vmem>>) semaphore(%arg12 : memref<!tpu.dma_semaphore, #tpu.memory_space<semaphore_mem>>)
    %scan3A_148 = arith.constant 0 : i32
    %scan3A_149 = arith.constant 0 : i32
    %scan3A_150 = arith.constant 25 : i32
    %scan3A_151 = arith.addi %scan3A_149, %scan3A_150 : i32
    %scan3A_152 = arith.constant 1 : i32
    scf.for %scan3A_161 = %scan3A_149 to %scan3A_151 step %scan3A_152  : i32 {
      %ge3A = arith.constant 7 : i32
      %ge3A_162 = arith.cmpi sge, %scan3A_161, %ge3A : i32
      %convert_element_type3A_163 = arith.extui %ge3A_162 : i1 to i32
      %cond3A_164 = arith.constant 0 : i32
      %cond3A_165 = arith.cmpi ne, %convert_element_type3A_163, %cond3A_164 : i32
      scf.if %cond3A_165 {
        %dma_wait3A_189 = arith.constant 0 : i32
        %dma_wait3A_190 = tpu.memref_slice %arg10[%dma_wait3A_189] : memref<8192xf32, #tpu.memory_space<vmem>> -> memref<1024xf32, #tpu.memory_space<vmem>>
        %dma_wait3A_191 = arith.constant 0 : i32
        %dma_wait3A_192 = tpu.memref_slice %arg5[%dma_wait3A_191] : memref<8192xf32, #tpu.memory_space<hbm>> -> memref<1024xf32, #tpu.memory_space<hbm>>
        %dma_wait3A_193 = arith.constant 0 : i32
        %dma_wait3A_194 = tpu.memref_slice %arg10[%dma_wait3A_193] : memref<8192xf32, #tpu.memory_space<vmem>> -> memref<1024xf32, #tpu.memory_space<vmem>>
        %dma_wait3A_195 = arith.constant 0 : i32
        %dma_wait3A_196 = tpu.memref_slice %arg5[%dma_wait3A_195] : memref<8192xf32, #tpu.memory_space<hbm>> -> memref<1024xf32, #tpu.memory_space<hbm>>
        tpu.wait_dma2 semaphore(%arg13 : memref<!tpu.dma_semaphore, #tpu.memory_space<semaphore_mem>>) src(%dma_wait3A_196 : memref<1024xf32, #tpu.memory_space<hbm>>) dst(%dma_wait3A_194 : memref<1024xf32, #tpu.memory_space<vmem>>)
      } else {
      }
      %lt3A = arith.constant 24 : i32
      %lt3A_166 = arith.cmpi slt, %scan3A_161, %lt3A : i32
      %convert_element_type3A_167 = arith.extui %lt3A_166 : i1 to i32
      %cond3A_168 = arith.constant 0 : i32
      %cond3A_169 = arith.cmpi ne, %convert_element_type3A_167, %cond3A_168 : i32
      scf.if %cond3A_169 {
        %add3A_189 = arith.constant 1 : i32
        %add3A_190 = arith.addi %scan3A_161, %add3A_189 : i32
        %mul3A_191 = arith.constant 25 : i32
        %mul3A_192 = arith.muli %arg0, %mul3A_191 : i32
        %add3A_193 = arith.addi %mul3A_192, %add3A_190 : i32
        %add3A_194 = arith.constant 1 : i32
        %add3A_195 = arith.addi %scan3A_161, %add3A_194 : i32
        %rem3A_196 = arith.constant 8 : i32
        %rem3A_197 = arith.remsi %add3A_195, %rem3A_196 : i32
        %mul3A_198 = arith.constant 1024 : i32
        %mul3A_199 = arith.muli %rem3A_197, %mul3A_198 : i32
        %add3A_200 = arith.constant 0 : i32
        %add3A_201 = arith.addi %mul3A_199, %add3A_200 : i32
        %dma_start3A_202 = tpu.memref_slice %arg10[%add3A_201] : memref<8192xf32, #tpu.memory_space<vmem>> -> memref<128xf32, #tpu.memory_space<vmem>>
        %dma_start3A_203 = arith.constant 0 : i32
        %dma_start3A_204 = tpu.memref_slice %arg9[%add3A_193, %dma_start3A_203] : memref<50x1024xi32, #tpu.memory_space<vmem>> -> memref<1x128xi32, #tpu.memory_space<vmem>>
        %dma_start3A_205 = tpu.memref_squeeze %dma_start3A_204 : memref<1x128xi32, #tpu.memory_space<vmem>> -> memref<128xi32, #tpu.memory_space<vmem>>
        %dma_start3A_206 = arith.constant 0 : i32
        %dma_start3A_207 = tpu.memref_slice %arg11[%dma_start3A_206] : memref<1000064xf32, #tpu.memory_space<vmem_shared>> -> memref<1000064xf32, #tpu.memory_space<vmem_shared>>
        tpu.enqueue_indirect_dma source(%dma_start3A_207 : memref<1000064xf32, #tpu.memory_space<vmem_shared>>) target(%dma_start3A_202 : memref<128xf32, #tpu.memory_space<vmem>>) offsets(%dma_start3A_205 : memref<128xi32, #tpu.memory_space<vmem>>) semaphore(%arg12 : memref<!tpu.dma_semaphore, #tpu.memory_space<semaphore_mem>>)
        %mul3A_208 = arith.constant 1024 : i32
        %mul3A_209 = arith.muli %rem3A_197, %mul3A_208 : i32
        %add3A_210 = arith.constant 128 : i32
        %add3A_211 = arith.addi %mul3A_209, %add3A_210 : i32
        %dma_start3A_212 = tpu.memref_slice %arg10[%add3A_211] : memref<8192xf32, #tpu.memory_space<vmem>> -> memref<128xf32, #tpu.memory_space<vmem>>
        %dma_start3A_213 = arith.constant 128 : i32
        %dma_start3A_214 = tpu.memref_slice %arg9[%add3A_193, %dma_start3A_213] : memref<50x1024xi32, #tpu.memory_space<vmem>> -> memref<1x128xi32, #tpu.memory_space<vmem>>
        %dma_start3A_215 = tpu.memref_squeeze %dma_start3A_214 : memref<1x128xi32, #tpu.memory_space<vmem>> -> memref<128xi32, #tpu.memory_space<vmem>>
        %dma_start3A_216 = arith.constant 0 : i32
        %dma_start3A_217 = tpu.memref_slice %arg11[%dma_start3A_216] : memref<1000064xf32, #tpu.memory_space<vmem_shared>> -> memref<1000064xf32, #tpu.memory_space<vmem_shared>>
        tpu.enqueue_indirect_dma source(%dma_start3A_217 : memref<1000064xf32, #tpu.memory_space<vmem_shared>>) target(%dma_start3A_212 : memref<128xf32, #tpu.memory_space<vmem>>) offsets(%dma_start3A_215 : memref<128xi32, #tpu.memory_space<vmem>>) semaphore(%arg12 : memref<!tpu.dma_semaphore, #tpu.memory_space<semaphore_mem>>)
        %mul3A_218 = arith.constant 1024 : i32
        %mul3A_219 = arith.muli %rem3A_197, %mul3A_218 : i32
        %add3A_220 = arith.constant 256 : i32
        %add3A_221 = arith.addi %mul3A_219, %add3A_220 : i32
        %dma_start3A_222 = tpu.memref_slice %arg10[%add3A_221] : memref<8192xf32, #tpu.memory_space<vmem>> -> memref<128xf32, #tpu.memory_space<vmem>>
        %dma_start3A_223 = arith.constant 256 : i32
        %dma_start3A_224 = tpu.memref_slice %arg9[%add3A_193, %dma_start3A_223] : memref<50x1024xi32, #tpu.memory_space<vmem>> -> memref<1x128xi32, #tpu.memory_space<vmem>>
        %dma_start3A_225 = tpu.memref_squeeze %dma_start3A_224 : memref<1x128xi32, #tpu.memory_space<vmem>> -> memref<128xi32, #tpu.memory_space<vmem>>
        %dma_start3A_226 = arith.constant 0 : i32
        %dma_start3A_227 = tpu.memref_slice %arg11[%dma_start3A_226] : memref<1000064xf32, #tpu.memory_space<vmem_shared>> -> memref<1000064xf32, #tpu.memory_space<vmem_shared>>
        tpu.enqueue_indirect_dma source(%dma_start3A_227 : memref<1000064xf32, #tpu.memory_space<vmem_shared>>) target(%dma_start3A_222 : memref<128xf32, #tpu.memory_space<vmem>>) offsets(%dma_start3A_225 : memref<128xi32, #tpu.memory_space<vmem>>) semaphore(%arg12 : memref<!tpu.dma_semaphore, #tpu.memory_space<semaphore_mem>>)
        %mul3A_228 = arith.constant 1024 : i32
        %mul3A_229 = arith.muli %rem3A_197, %mul3A_228 : i32
        %add3A_230 = arith.constant 384 : i32
        %add3A_231 = arith.addi %mul3A_229, %add3A_230 : i32
        %dma_start3A_232 = tpu.memref_slice %arg10[%add3A_231] : memref<8192xf32, #tpu.memory_space<vmem>> -> memref<128xf32, #tpu.memory_space<vmem>>
        %dma_start3A_233 = arith.constant 384 : i32
        %dma_start3A_234 = tpu.memref_slice %arg9[%add3A_193, %dma_start3A_233] : memref<50x1024xi32, #tpu.memory_space<vmem>> -> memref<1x128xi32, #tpu.memory_space<vmem>>
        %dma_start3A_235 = tpu.memref_squeeze %dma_start3A_234 : memref<1x128xi32, #tpu.memory_space<vmem>> -> memref<128xi32, #tpu.memory_space<vmem>>
        %dma_start3A_236 = arith.constant 0 : i32
        %dma_start3A_237 = tpu.memref_slice %arg11[%dma_start3A_236] : memref<1000064xf32, #tpu.memory_space<vmem_shared>> -> memref<1000064xf32, #tpu.memory_space<vmem_shared>>
        tpu.enqueue_indirect_dma source(%dma_start3A_237 : memref<1000064xf32, #tpu.memory_space<vmem_shared>>) target(%dma_start3A_232 : memref<128xf32, #tpu.memory_space<vmem>>) offsets(%dma_start3A_235 : memref<128xi32, #tpu.memory_space<vmem>>) semaphore(%arg12 : memref<!tpu.dma_semaphore, #tpu.memory_space<semaphore_mem>>)
        %mul3A_238 = arith.constant 1024 : i32
        %mul3A_239 = arith.muli %rem3A_197, %mul3A_238 : i32
        %add3A_240 = arith.constant 512 : i32
        %add3A_241 = arith.addi %mul3A_239, %add3A_240 : i32
        %dma_start3A_242 = tpu.memref_slice %arg10[%add3A_241] : memref<8192xf32, #tpu.memory_space<vmem>> -> memref<128xf32, #tpu.memory_space<vmem>>
        %dma_start3A_243 = arith.constant 512 : i32
        %dma_start3A_244 = tpu.memref_slice %arg9[%add3A_193, %dma_start3A_243] : memref<50x1024xi32, #tpu.memory_space<vmem>> -> memref<1x128xi32, #tpu.memory_space<vmem>>
        %dma_start3A_245 = tpu.memref_squeeze %dma_start3A_244 : memref<1x128xi32, #tpu.memory_space<vmem>> -> memref<128xi32, #tpu.memory_space<vmem>>
        %dma_start3A_246 = arith.constant 0 : i32
        %dma_start3A_247 = tpu.memref_slice %arg11[%dma_start3A_246] : memref<1000064xf32, #tpu.memory_space<vmem_shared>> -> memref<1000064xf32, #tpu.memory_space<vmem_shared>>
        tpu.enqueue_indirect_dma source(%dma_start3A_247 : memref<1000064xf32, #tpu.memory_space<vmem_shared>>) target(%dma_start3A_242 : memref<128xf32, #tpu.memory_space<vmem>>) offsets(%dma_start3A_245 : memref<128xi32, #tpu.memory_space<vmem>>) semaphore(%arg12 : memref<!tpu.dma_semaphore, #tpu.memory_space<semaphore_mem>>)
        %mul3A_248 = arith.constant 1024 : i32
        %mul3A_249 = arith.muli %rem3A_197, %mul3A_248 : i32
        %add3A_250 = arith.constant 640 : i32
        %add3A_251 = arith.addi %mul3A_249, %add3A_250 : i32
        %dma_start3A_252 = tpu.memref_slice %arg10[%add3A_251] : memref<8192xf32, #tpu.memory_space<vmem>> -> memref<128xf32, #tpu.memory_space<vmem>>
        %dma_start3A_253 = arith.constant 640 : i32
        %dma_start3A_254 = tpu.memref_slice %arg9[%add3A_193, %dma_start3A_253] : memref<50x1024xi32, #tpu.memory_space<vmem>> -> memref<1x128xi32, #tpu.memory_space<vmem>>
        %dma_start3A_255 = tpu.memref_squeeze %dma_start3A_254 : memref<1x128xi32, #tpu.memory_space<vmem>> -> memref<128xi32, #tpu.memory_space<vmem>>
        %dma_start3A_256 = arith.constant 0 : i32
        %dma_start3A_257 = tpu.memref_slice %arg11[%dma_start3A_256] : memref<1000064xf32, #tpu.memory_space<vmem_shared>> -> memref<1000064xf32, #tpu.memory_space<vmem_shared>>
        tpu.enqueue_indirect_dma source(%dma_start3A_257 : memref<1000064xf32, #tpu.memory_space<vmem_shared>>) target(%dma_start3A_252 : memref<128xf32, #tpu.memory_space<vmem>>) offsets(%dma_start3A_255 : memref<128xi32, #tpu.memory_space<vmem>>) semaphore(%arg12 : memref<!tpu.dma_semaphore, #tpu.memory_space<semaphore_mem>>)
        %mul3A_258 = arith.constant 1024 : i32
        %mul3A_259 = arith.muli %rem3A_197, %mul3A_258 : i32
        %add3A_260 = arith.constant 768 : i32
        %add3A_261 = arith.addi %mul3A_259, %add3A_260 : i32
        %dma_start3A_262 = tpu.memref_slice %arg10[%add3A_261] : memref<8192xf32, #tpu.memory_space<vmem>> -> memref<128xf32, #tpu.memory_space<vmem>>
        %dma_start3A_263 = arith.constant 768 : i32
        %dma_start3A_264 = tpu.memref_slice %arg9[%add3A_193, %dma_start3A_263] : memref<50x1024xi32, #tpu.memory_space<vmem>> -> memref<1x128xi32, #tpu.memory_space<vmem>>
        %dma_start3A_265 = tpu.memref_squeeze %dma_start3A_264 : memref<1x128xi32, #tpu.memory_space<vmem>> -> memref<128xi32, #tpu.memory_space<vmem>>
        %dma_start3A_266 = arith.constant 0 : i32
        %dma_start3A_267 = tpu.memref_slice %arg11[%dma_start3A_266] : memref<1000064xf32, #tpu.memory_space<vmem_shared>> -> memref<1000064xf32, #tpu.memory_space<vmem_shared>>
        tpu.enqueue_indirect_dma source(%dma_start3A_267 : memref<1000064xf32, #tpu.memory_space<vmem_shared>>) target(%dma_start3A_262 : memref<128xf32, #tpu.memory_space<vmem>>) offsets(%dma_start3A_265 : memref<128xi32, #tpu.memory_space<vmem>>) semaphore(%arg12 : memref<!tpu.dma_semaphore, #tpu.memory_space<semaphore_mem>>)
        %mul3A_268 = arith.constant 1024 : i32
        %mul3A_269 = arith.muli %rem3A_197, %mul3A_268 : i32
        %add3A_270 = arith.constant 896 : i32
        %add3A_271 = arith.addi %mul3A_269, %add3A_270 : i32
        %dma_start3A_272 = tpu.memref_slice %arg10[%add3A_271] : memref<8192xf32, #tpu.memory_space<vmem>> -> memref<128xf32, #tpu.memory_space<vmem>>
        %dma_start3A_273 = arith.constant 896 : i32
        %dma_start3A_274 = tpu.memref_slice %arg9[%add3A_193, %dma_start3A_273] : memref<50x1024xi32, #tpu.memory_space<vmem>> -> memref<1x128xi32, #tpu.memory_space<vmem>>
        %dma_start3A_275 = tpu.memref_squeeze %dma_start3A_274 : memref<1x128xi32, #tpu.memory_space<vmem>> -> memref<128xi32, #tpu.memory_space<vmem>>
        %dma_start3A_276 = arith.constant 0 : i32
        %dma_start3A_277 = tpu.memref_slice %arg11[%dma_start3A_276] : memref<1000064xf32, #tpu.memory_space<vmem_shared>> -> memref<1000064xf32, #tpu.memory_space<vmem_shared>>
        tpu.enqueue_indirect_dma source(%dma_start3A_277 : memref<1000064xf32, #tpu.memory_space<vmem_shared>>) target(%dma_start3A_272 : memref<128xf32, #tpu.memory_space<vmem>>) offsets(%dma_start3A_275 : memref<128xi32, #tpu.memory_space<vmem>>) semaphore(%arg12 : memref<!tpu.dma_semaphore, #tpu.memory_space<semaphore_mem>>)
      } else {
      }
      %dma_wait3A = arith.constant 0 : i32
      %dma_wait3A_170 = tpu.memref_slice %arg10[%dma_wait3A] : memref<8192xf32, #tpu.memory_space<vmem>> -> memref<1024xf32, #tpu.memory_space<vmem>>
      %dma_wait3A_171 = arith.constant 0 : i32
      %dma_wait3A_172 = tpu.memref_slice %arg5[%dma_wait3A_171] : memref<8192xf32, #tpu.memory_space<hbm>> -> memref<1024xf32, #tpu.memory_space<hbm>>
      %dma_wait3A_173 = arith.constant 0 : i32
      %dma_wait3A_174 = tpu.memref_slice %arg10[%dma_wait3A_173] : memref<8192xf32, #tpu.memory_space<vmem>> -> memref<1024xf32, #tpu.memory_space<vmem>>
      %dma_wait3A_175 = arith.constant 0 : i32
      %dma_wait3A_176 = tpu.memref_slice %arg5[%dma_wait3A_175] : memref<8192xf32, #tpu.memory_space<hbm>> -> memref<1024xf32, #tpu.memory_space<hbm>>
      tpu.wait_dma2 semaphore(%arg12 : memref<!tpu.dma_semaphore, #tpu.memory_space<semaphore_mem>>) src(%dma_wait3A_176 : memref<1024xf32, #tpu.memory_space<hbm>>) dst(%dma_wait3A_174 : memref<1024xf32, #tpu.memory_space<vmem>>)
      %rem3A = arith.constant 8 : i32
      %rem3A_177 = arith.remsi %scan3A_161, %rem3A : i32
      %mul3A_178 = arith.constant 1024 : i32
      %mul3A_179 = arith.muli %rem3A_177, %mul3A_178 : i32
      %mul3A_180 = arith.constant 25 : i32
      %mul3A_181 = arith.muli %arg0, %mul3A_180 : i32
      %add3A_182 = arith.addi %mul3A_181, %scan3A_161 : i32
      %dma_start3A_183 = tpu.memref_slice %arg10[%mul3A_179] : memref<8192xf32, #tpu.memory_space<vmem>> -> memref<1024xf32, #tpu.memory_space<vmem>>
      %dma_start3A_184 = tpu.memref_slice %arg8[%add3A_182, %mul3A_0] : memref<50x16384xf32, #tpu.memory_space<hbm>> -> memref<1x1024xf32, #tpu.memory_space<hbm>>
      %dma_start3A_185 = tpu.memref_squeeze %dma_start3A_184 : memref<1x1024xf32, #tpu.memory_space<hbm>> -> memref<1024xf32, #tpu.memory_space<hbm>>
      %dma_start3A_186 = tpu.memref_slice %arg8[%add3A_182, %mul3A_0] : memref<50x16384xf32, #tpu.memory_space<hbm>> -> memref<1x1024xf32, #tpu.memory_space<hbm>>
      %dma_start3A_187 = tpu.memref_squeeze %dma_start3A_186 : memref<1x1024xf32, #tpu.memory_space<hbm>> -> memref<1024xf32, #tpu.memory_space<hbm>>
      %dma_start3A_188 = tpu.memref_slice %arg10[%mul3A_179] : memref<8192xf32, #tpu.memory_space<vmem>> -> memref<1024xf32, #tpu.memory_space<vmem>>
      tpu.enqueue_dma source(%dma_start3A_188 : memref<1024xf32, #tpu.memory_space<vmem>>) target(%dma_start3A_187 : memref<1024xf32, #tpu.memory_space<hbm>>) target_semaphore(%arg13 : memref<!tpu.dma_semaphore, #tpu.memory_space<semaphore_mem>>)
    }
    %scan3A_153 = arith.constant 25 : i32
    %scan3A_154 = arith.constant 0 : i32
    %scan3A_155 = arith.constant 0 : i32
    %scan3A_156 = arith.constant 7 : i32
    %scan3A_157 = arith.addi %scan3A_155, %scan3A_156 : i32
    %scan3A_158 = arith.constant 1 : i32
    scf.for %scan3A_161 = %scan3A_155 to %scan3A_157 step %scan3A_158  : i32 {
      %dma_wait3A = arith.constant 0 : i32
      %dma_wait3A_162 = tpu.memref_slice %arg10[%dma_wait3A] : memref<8192xf32, #tpu.memory_space<vmem>> -> memref<1024xf32, #tpu.memory_space<vmem>>
      %dma_wait3A_163 = arith.constant 0 : i32
      %dma_wait3A_164 = tpu.memref_slice %arg5[%dma_wait3A_163] : memref<8192xf32, #tpu.memory_space<hbm>> -> memref<1024xf32, #tpu.memory_space<hbm>>
      %dma_wait3A_165 = arith.constant 0 : i32
      %dma_wait3A_166 = tpu.memref_slice %arg10[%dma_wait3A_165] : memref<8192xf32, #tpu.memory_space<vmem>> -> memref<1024xf32, #tpu.memory_space<vmem>>
      %dma_wait3A_167 = arith.constant 0 : i32
      %dma_wait3A_168 = tpu.memref_slice %arg5[%dma_wait3A_167] : memref<8192xf32, #tpu.memory_space<hbm>> -> memref<1024xf32, #tpu.memory_space<hbm>>
      tpu.wait_dma2 semaphore(%arg13 : memref<!tpu.dma_semaphore, #tpu.memory_space<semaphore_mem>>) src(%dma_wait3A_168 : memref<1024xf32, #tpu.memory_space<hbm>>) dst(%dma_wait3A_166 : memref<1024xf32, #tpu.memory_space<vmem>>)
    }
    %scan3A_159 = arith.constant 7 : i32
    %barrier3A_160 = arith.constant 0 : index
    tpu.barrier barrier_id(%barrier3A_160)
    return
  }
}

module attributes {stable_mosaic.version = 14 : i64} {
  func.func @_softplus_body(%arg0: memref<50x16384xf32, #tpu.memory_space<vmem>>, %arg1: memref<50x16384xf32, #tpu.memory_space<vmem>>) attributes {dimension_semantics = [], scalar_prefetch = 0 : i64, scratch_operands = 0 : i64, tpu.core_type = #tpu.core_type<tc>} {
    %get3A = arith.constant 0 : index
    %get3A_0 = arith.constant 0 : index
    %get3A_1 = vector.load %arg0[%get3A, %get3A_0] : memref<50x16384xf32, #tpu.memory_space<vmem>>, vector<50x16384xf32>
    %max3A = arith.constant 0.000000e+00 : f32
    %max3A_2 = vector.broadcast %max3A : f32 to vector<50x16384xf32>
    %max3A_3 = arith.maximumf %get3A_1, %max3A_2 : vector<50x16384xf32>
    %abs3A = math.absf %get3A_1 : vector<50x16384xf32>
    %neg3A = arith.constant 0.000000e+00 : f32
    %neg3A_4 = vector.broadcast %neg3A : f32 to vector<50x16384xf32>
    %neg3A_5 = arith.subf %neg3A_4, %abs3A : vector<50x16384xf32>
    %exp3A = math.exp %neg3A_5 : vector<50x16384xf32>
    %log1p3A = math.log1p %exp3A : vector<50x16384xf32>
    %add3A = arith.addf %max3A_3, %log1p3A : vector<50x16384xf32>
    %swap3A = arith.constant 0 : index
    %swap3A_6 = arith.constant 0 : index
    %swap3A_7 = vector.load %arg1[%swap3A, %swap3A_6] : memref<50x16384xf32, #tpu.memory_space<vmem>>, vector<50x16384xf32>
    tpu.vector_store %arg1[%swap3A, %swap3A_6], %add3A {strides = array<i32>} : memref<50x16384xf32, #tpu.memory_space<vmem>>, vector<50x16384xf32>,
    return
  }
}

</mosaic_0001>

<sc_bundles>
// kernel: kernel.4.cloned.1.call-start
scs
__scs_entry_jumppad:
0x0: {  	(pc) =	sbr.rel $0x88, $3  }
0x1: {  	(tag) =	ssettag $0x0;
	lr =	simm.s32 $0x1  }
0x2: {  	[smem:$0x3F9E] =	sst lr;
	_ =	strace $0xD0000000  }
0x3: {  	_ = 	snop  }
0x4: {  	_ = 	snop  }
0x5: {  	_ = 	snop  }
0x6: {  	_ = 	snop  }
0x7: {  	_ = 	snop  }
__scs_overlays_trampoline_lowered:
0x8: {  	[smem:$0x3FAD] =	sst s0  }
0x9: {  	[smem:$0x3FAE] =	sst s1  }
0xa: {  	[smem:$0x3FAF] =	sst s2  }
0xb: {  	[smem:$0x3FB0] =	sst s3  }
0xc: {  	[smem:$0x3FB1] =	sst s4  }
0xd: {  	[smem:$0x3FB2] =	sst s5  }
0xe: {  	[smem:$0x3FB3] =	sst s6  }
0xf: {  	[smem:$0x3FB4] =	sst s7  }
0x10: {  	[smem:$0x3FB5] =	sst s8  }
0x11: {  	[smem:$0x3FB6] =	sst s9;
	s0 =	simm.s32 @!p0 $0x0  }
0x12: {  	s1 =	sld [smem:$0x3F9C];
	s0 =	simm.s32 @p0 $0x1  }
0x13: {  	[smem:$0x3FB7] =	sst s0;
	s0 =	simm.s32 @!p1 $0x0  }
0x14: {  	s2 =	sld [smem:$0x3F9B];
	s0 =	simm.s32 @p1 $0x1  }
0x15: {  	[smem:$0x3FB8] =	sst s0;
	s0 =	simm.s32 @!p2 $0x0  }
0x16: {  	s3 =	sld [smem:$0x3FDB];
	s0 =	simm.s32 @p2 $0x1  }
0x17: {  	s4 =	simm.s32 $0x1BF5;
	[smem:$0x3FBA] =	sst s0  }
0x18: {  	s0 =	sld [smem:$0x3F9D];
	_ =	swait.ge [sflag:s4], $0x0  }
0x19: {  	s7 =	sld [smem:$0x3F9E]  }
0x1a: {  	s8 =	sadd.s32 $0xFFFFE003, lr  }
0x1b: {  	s9 =	sadd.s32 $0xFFFFFEF7, lr;
	s5 =	simm.s32 $0xFFFFFFFF;
	p2 =	slt.u32 s8, $0xFFFFF086  }
0x1c: {  	p1 =	slt.u32 s9, $0xF7A;
	s5 =	simm.s32 @!p2 $0x0  }
0x1d: {  	s5 =	simm.s32 @p1 $0x1;
	p0 =	seq.s32 s7, s2  }
0x1e: {  	s7 =	smul.u32 @!p0 $0xF7A, s2;
	p2 =	seq.s32 @!p0 s5, $0x0  }
0x1f: {  	s9 =	smul.u32 $0xF7A, s1;
	s8 =	simm.s32 @!p0 $0x1BF5;
	p2 =	por !p2, p0  }
0x20: {  	[sflag:s8] =	ssyncset.s32 @!p0 $0xFFFFF086;
	s6 =	sadd.s32 @!p0 s3, s7;
	s7 =	simm.s32 @!p0 $0x108  }
0x21: {  	s3 =	sadd.s32 s3, s9;
	s6 =	sadd.s32 @!p0 $0x88, s6;
	s7 =	simm.s32 @p2 $0x1082  }
0x22: {  	[simem:s7], [sflag:s8] =	dma.local @!p0 [hbm:s6], $0xF7A  }
0x23: {  	s9 =	sor.u32 $0xD0000000, s2;
	s6 =	simm.s32 $0x108;
	_ =	swait.ge @!p0 [sflag:s8], $0x0  }
0x24: {  	s3 =	sadd.s32 $0x88, s3;
	s6 =	simm.s32 @!p1 $0x1082;
	[sflag:s4] =	ssyncset.s32 $0xFFFFF086  }
0x25: {  	[simem:s6], [sflag:s4] =	dma.local [hbm:s3], $0xF7A  }
0x26: {  	[smem:$0x3F9E] =	sst s1;
	(tag) =	ssettag s2;
	_ =	strace s9  }
0x27: {  	s1 =	sld [smem:$0x3FAE]  }
0x28: {  	s2 =	sld [smem:$0x3FAF]  }
0x29: {  	s4 =	sld [smem:$0x3FB1]  }
0x2a: {  	p0 =	seq.s32 s5, $0x0;
	s5 =	sld [smem:$0x3FB2]  }
0x2b: {  	s6 =	sld [smem:$0x3FB3]  }
0x2c: {  	s7 =	sld [smem:$0x3FB4]  }
0x2d: {  	s3 =	simm.s32 $0x108;
	s8 =	sld [smem:$0x3FB5]  }
0x2e: {  	s3 =	simm.s32 @!p0 $0x1082;
	s9 =	sld [smem:$0x3FB6]  }
0x2f: {  	lr =	sadd.s32 s0, s3;
	s0 =	sld [smem:$0x3FAD]  }
0x30: {  	s3 =	sld [smem:$0x3FB0]  }
0x31: {  	[smem:$0x3FB9] =	sst s10  }
0x32: {  	s10 =	sld [smem:$0x3FB7];
	_ =	sdelay $0x3  }
0x33: {  	p0 =	seq.s32 s10, $0x1;
	s10 =	sld [smem:$0x3FB9];
	_ =	sdelay $0x3  }
0x34: {  	[smem:$0x3FB9] =	sst s10  }
0x35: {  	s10 =	sld [smem:$0x3FB8];
	_ =	sdelay $0x3  }
0x36: {  	p1 =	seq.s32 s10, $0x1;
	s10 =	sld [smem:$0x3FB9];
	_ =	sdelay $0x3  }
0x37: {  	[smem:$0x3FB9] =	sst s10  }
0x38: {  	s10 =	sld [smem:$0x3FBA]  }
0x39: {  	_ = 	snop;
	(pc) =	sbr.ind lr, $3  }
0x3a: {  	_ = 	snop  }
0x3b: {  	_ = 	snop  }
0x3c: {  	p2 =	seq.s32 s10, $0x1;
	s10 =	sld [smem:$0x3FB9]  }
0x3d: {  	_ =	shalt  }
0x3e: {  	_ =	shalt  }
0x3f: {  	_ =	shalt  }
0x40: {  	_ =	shalt  }
0x41: {  	_ =	shalt  }
0x42: {  	_ =	shalt  }
0x43: {  	_ =	shalt  }
0x44: {  	_ =	shalt  }
0x45: {  	_ =	shalt  }
0x46: {  	_ =	shalt  }
0x47: {  	_ =	shalt  }
0x48: {  	_ =	shalt  }
0x49: {  	_ =	shalt  }
0x4a: {  	_ =	shalt  }
0x4b: {  	_ =	shalt  }
0x4c: {  	_ =	shalt  }
0x4d: {  	_ =	shalt  }
0x4e: {  	_ =	shalt  }
0x4f: {  	_ =	shalt  }
0x50: {  	_ =	shalt  }
0x51: {  	_ =	shalt  }
0x52: {  	_ =	shalt  }
0x53: {  	_ =	shalt  }
0x54: {  	_ =	shalt  }
0x55: {  	_ =	shalt  }
0x56: {  	_ =	shalt  }
0x57: {  	_ =	shalt  }
0x58: {  	_ =	shalt  }
0x59: {  	_ =	shalt  }
0x5a: {  	_ =	shalt  }
0x5b: {  	_ =	shalt  }
0x5c: {  	_ =	shalt  }
0x5d: {  	_ =	shalt  }
0x5e: {  	_ =	shalt  }
0x5f: {  	_ =	shalt  }
0x60: {  	_ =	shalt  }
0x61: {  	_ =	shalt  }
0x62: {  	_ =	shalt  }
0x63: {  	_ =	shalt  }
0x64: {  	_ =	shalt  }
0x65: {  	_ =	shalt  }
0x66: {  	_ =	shalt  }
0x67: {  	_ =	shalt  }
0x68: {  	_ =	shalt  }
0x69: {  	_ =	shalt  }
0x6a: {  	_ =	shalt  }
0x6b: {  	_ =	shalt  }
0x6c: {  	_ =	shalt  }
0x6d: {  	_ =	shalt  }
0x6e: {  	_ =	shalt  }
0x6f: {  	_ =	shalt  }
0x70: {  	_ =	shalt  }
0x71: {  	_ =	shalt  }
0x72: {  	_ =	shalt  }
0x73: {  	_ =	shalt  }
0x74: {  	_ =	shalt  }
0x75: {  	_ =	shalt  }
0x76: {  	_ =	shalt  }
0x77: {  	_ =	shalt  }
0x78: {  	_ =	shalt  }
0x79: {  	_ =	shalt  }
0x7a: {  	_ =	shalt  }
0x7b: {  	_ =	shalt  }
0x7c: {  	_ =	shalt  }
0x7d: {  	_ =	shalt  }
0x7e: {  	_ =	shalt  }
0x7f: {  	_ =	shalt  }
0x80: {  	_ =	shalt  }
0x81: {  	_ =	shalt  }
0x82: {  	_ =	shalt  }
0x83: {  	_ =	shalt  }
0x84: {  	_ =	shalt  }
0x85: {  	_ =	shalt  }
0x86: {  	_ =	shalt  }
0x87: {  	_ =	shalt  }
.Lfunc_end0:
.L_simem_size_0:
called_computation_lowered:
.L_overlay_start_0:
0x88: {  	s2 =	sld [smem:$0x3FD9]  }
0x89: {  	s3 =	sld [smem:$0x3FFE];
	_ =	sdelay $0x1  }
0x8a: {  	s1 =	srdreg.scid  }
0x8b: {  	s0 =	sand.u32 $0x1, s1  }
0x8c: {  	s14 =	sshll.u32 s0, $0xA;
	s2 =	sadd.s32 s3, s2  }
0x8d: {  	s2 =	sadd.s32 s2, s14  }
0x8e: {  	[smem:$0x3FC5] =	sst s2  }
0x8f: {  	_ = 	snop  }
0x90: {  	s2 =	sld [smem:$0x3FD0];
	_ =	sdelay $0x1  }
0x91: {  	s15 =	sld [smem:$0x3FC9]  }
0x92: {  	s5 =	simm.s32 $0xA;
	s6 =	simm.s32 $0x10;
	s4 =	sld [smem:$0x3FC8]  }
0x93: {  	[smem:s6], [sflag:s5] =	dma.local [hbm:s2], $0x1  }
0x94: {  	_ =	swait.eq [sflag:s5], $0x1  }
0x95: {  	[sflag:s5] =	ssyncset.done $0x0  }
0x96: {  	s16 =	sld [smem:$0x10];
	[sflag:s5] =	ssyncadd.s32 $0xFFFFFFFF  }
0x97: {  	s17 =	sld [smem:$0x11];
	(tm) =	ssettm $0x1  }
0x98: {  	s18 =	sld [smem:$0x3FFB];
	_ =	sdelay $0x3  }
0x99: {  	_ =	strace s18  }
0x9a: {  	s6 =	sld [smem:$0x3FFC];
	_ =	sdelay $0x3  }
0x9b: {  	_ =	strace s6  }
0x9c: {  	s6 =	sld [smem:$0x3FFD];
	_ =	sdelay $0x3  }
0x9d: {  	_ =	strace s6  }
0x9e: {  	_ =	strace $0x8FFFFFFF  }
0x9f: {  	s19 =	sld [smem:$0x3FDB];
	_ =	sdelay $0x1  }
0xa0: {  	s7 =	simm.s32 $_scs_section_size  }
0xa1: {  	s8 =	simm.s32 $_size__tile_overlayer_lowered;
	s9 =	simm.s32 $_tile_overlayer_lowered  }
0xa2: {  	s22 =	simm.s32 $0x1BFF;
	s21 =	sshll.u32 s9, $0x1;
	s6 =	sadd.s32 s7, s19  }
0xa3: {  	s10 =	simm.s32 $0x0;
	s20 =	sshll.u32 s8, $0x1;
	s8 =	sadd.s32 s21, s6  }
0xa4: {  	[timem:s10], [sflag:s22] =	dma.local [hbm:s8], s20  }
0xa5: {  	_ =	swait.ge [sflag:s22], s20  }
0xa6: {  	s7 =	ssub.s32 $0x0, s20;
	[sflag:s22] =	ssyncset.done $0x0  }
0xa7: {  	[sflag:s22] =	ssyncadd.s32 s7;
	_ =	sdelay $0x1  }
0xa8: {  	s23 =	simm.s32 $0x1B8B  }
0xa9: {  	_ =	swait.ge [sflag:s23], $0x1  }
0xaa: {  	[sflag:s23] =	ssyncset.done $0x0  }
0xab: {  	s25 =	simm.s32 $0x1B8E;
	s24 =	sld [smem:$0x3FFE];
	[sflag:s23] =	ssyncadd.s32 $0xFFFFFFFF  }
0xac: {  	s26 =	simm.s32 $execute0_lowered;
	[smem:$0x3FD2] =	sst s25  }
0xad: {  	s8 =	sshll.u32 s26, $0x1;
	_ =	strace $0x80000046;
	[dreg:$0x1] =	wrdreg $0xFFFFFFFF  }
0xae: {  	s28 =	simm.s32 $_size_execute0_lowered;
	s6 =	sadd.s32 s6, s8;
	[dreg:$0x0] =	wrdreg $0x0  }
0xaf: {  	s8 =	sshll.u32 s28, $0x1;
	[dreg:$0x2] =	wrdreg s6  }
0xb0: {  	[dreg:$0x3] =	wrdreg s8  }
0xb1: {  	[dreg:$0x4] =	wrdreg $0xC0  }
0xb2: {  	_ =	task [dreg:s10], $0x5FFFF  }
0xb3: {  	[dreg:$0x1] =	wrdreg $0xFFFFFFFF  }
0xb4: {  	[dreg:$0x0] =	wrdreg $0x60  }
0xb5: {  	[dreg:$0x2] =	wrdreg s15  }
0xb6: {  	[dreg:$0x3] =	wrdreg s4  }
0xb7: {  	[dreg:$0x4] =	wrdreg s24  }
0xb8: {  	[dreg:$0x5] =	wrdreg s17  }
0xb9: {  	[dreg:$0x6] =	wrdreg s16  }
0xba: {  	[dreg:$0x7] =	wrdreg $0x100000  }
0xbb: {  	[dreg:$0x8] =	wrdreg $0x9  }
0xbc: {  	_ =	task.clear_ibuf [dreg:s10], $0x9FFFF;
	_ =	strace $0x90000046  }
0xbd: {  	s29 =	simm.s32 $0x9;
	_ =	strace $0x80000048  }
0xbe: {  	_ =	swait.ge [sflag:s29], $0x1  }
0xbf: {  	[sflag:s29] =	ssyncadd.s32 $0xFFFFFFFF  }
0xc0: {  	_ =	strace $0x90000048  }
0xc1: {  	_ =	sfence  }
0xc2: {  	s30 =	sld [smem:$0x0];
	_ =	sdelay $0x2  }
0xc3: {  	s31 =	sshll.u32 s1, $0xD;
	s1 =	sshrl.u32 s1, $0x2  }
0xc4: {  	s3 =	sand.u32 $0x4000, s31;
	s1 =	sadd.s32 s1, s30  }
0xc5: {  	s0 =	sor.u32 s3, s0;
	s1 =	sshll.u32 s1, $0x11  }
0xc6: {  	s0 =	sor.u32 s1, s0  }
0xc7: {  	s0 =	sadd.s32 $0x8F2B, s0  }
0xc8: {  	[sflag:s0] =	ssyncadd.remote.s32 $0x1  }
0xc9: {  	_ =	sfence.sel $0xFFFF  }
0xca: {  	[dreg:$0x0] =	wrdreg $0xFFFFFFFF;
	(pc) =	sbr.abs _section_cstart, $3  }
0xcb: {  	[dreg:$0x1] =	wrdreg $0xFFFFFFFF  }
0xcc: {  	_ =	task.clear_ibuf [dreg:s10], $0x2FFFF;
	_ =	strace $0x9FFFFFFF  }
0xcd: {  	(tm) =	ssettm $0x7FFFFFFF  }
tec
execute0_lowered:
.L_overlay_start_1:
0x0: {  	(tag) =	ssettag $0x1  }
0x1: {  	s0 =	stileid.u32  }
0x2: {  	p0 =	sgt.s32 s0, $0x1  }
0x3: {  	p1 =	seq.s32 @p0 s0, $0x2  }
0x4: {  	p2 =	por !p1, !p0  }
0x5: {  	s3 =	simm.s32 @!p2 $0x0  }
0x6: {  	p3 =	sgt.s32 s0, $0x5;
	p1 =	por p1, !p0;
	s3 =	simm.s32 @p2 $0x1  }
0x7: {  	p4 =	seq.s32 @!p0 s0, $0x0;
	[smem:$0x7D1] =	sst s3;
	s3 =	simm.s32 @!p1 $0x0  }
0x8: {  	p2 =	por !p4, p0;
	p0 =	por p4, p0;
	s3 =	simm.s32 @p1 $0x1  }
0x9: {  	p1 =	seq.s32 @p3 s0, $0x6;
	[smem:$0x7D2] =	sst s3;
	s3 =	simm.s32 @!p0 $0x0  }
0xa: {  	s3 =	simm.s32 @p0 $0x1;
	p0 =	por !p1, !p3  }
0xb: {  	[smem:$0x7D3] =	sst s3;
	s3 =	simm.s32 @!p0 $0x0  }
0xc: {  	p1 =	por p1, !p3;
	s3 =	simm.s32 @p0 $0x1  }
0xd: {  	p0 =	seq.s32 @!p3 s0, $0x4;
	[smem:$0x7D4] =	sst s3;
	s3 =	simm.s32 @!p1 $0x0  }
0xe: {  	s3 =	simm.s32 @p1 $0x1;
	p1 =	por !p0, p3  }
0xf: {  	p4 =	sgt.s32 s0, $0xB;
	[smem:$0x7D5] =	sst s3;
	s3 =	simm.s32 @!p1 $0x0  }
0x10: {  	p0 =	por p0, p3;
	s3 =	simm.s32 @p1 $0x1;
	p1 =	sgt.s32 @p4 s0, $0xD  }
0x11: {  	[smem:$0x7D6] =	sst s3;
	s3 =	simm.s32 @!p0 $0x0;
	p3 =	por !p1, !p4  }
0x12: {  	s3 =	simm.s32 @p0 $0x1;
	p0 =	por p1, !p4;
	p3 =	seq.s32 @!p3 s0, $0xE  }
0x13: {  	p6 =	seq.s32 @!p0 s0, $0xC;
	p0 =	por @p4 !p3, !p1  }
0x14: {  	s5 =	simm.s32 @!p0 $0x0  }
0x15: {  	s5 =	simm.s32 @p0 $0x1;
	p0 =	por @p4 p3, !p1  }
0x16: {  	[smem:$0x7D9] =	sst s5;
	s5 =	simm.s32 @!p0 $0x0  }
0x17: {  	s5 =	simm.s32 @p0 $0x1;
	p0 =	por p6, p6  }
0x18: {  	s2 =	rddreg [dreg:$0x0];
	p6 =	por @p4 !p6, p1;
	p1 =	por @p4 p0, p1  }
0x19: {  	p3 =	sgt.s32 @!p4 s0, $0x9;
	[smem:$0x7DB] =	sst s5;
	s5 =	simm.s32 @!p1 $0x0  }
0x1a: {  	s1 =	rddreg [dreg:$0x2];
	s5 =	simm.s32 @p1 $0x1;
	p1 =	por !p3, p4  }
0x1b: {  	s4 =	rddreg [dreg:$0x5];
	p0 =	por p3, p4;
	p1 =	seq.s32 @!p1 s0, $0xA  }
0x1c: {  	s6 =	simm.s32 $0x0;
	p5 =	seq.s32 @!p0 s0, $0x8;
	p0 =	por @!p4 !p1, !p3  }
0x1d: {  	[smem:$0x7FF] =	sst s6;
	s7 =	simm.s32 @!p0 $0x0  }
0x1e: {  	[smem:$0x7D7] =	sst s3;
	s7 =	simm.s32 @p0 $0x1;
	p0 =	por @!p4 p1, !p3  }
0x1f: {  	[smem:$0x7E0] =	sst s7;
	s7 =	simm.s32 @!p0 $0x0  }
0x20: {  	s3 =	rddreg [dreg:$0x4];
	s7 =	simm.s32 @p0 $0x1;
	p0 =	por @!p4 !p5, p3  }
0x21: {  	[smem:$0x7E2] =	sst s7;
	s7 =	simm.s32 @!p0 $0x0  }
0x22: {  	[smem:$0x7DE] =	sst s5;
	s7 =	simm.s32 @p0 $0x1  }
0x23: {  	s23 =	sadd.s32 $0x800, s1;
	s25 =	sadd.s32 $0x1F200, s1;
	[smem:$0x7E4] =	sst s7  }
0x24: {  	s29 =	sshll.u32 s0, $0xA;
	_ =	strace $0x80000047;
	[dreg:$0x7] =	wrdreg s23  }
0x25: {  	s2 =	sadd.s32 s2, s29;
	[dreg:$0x8] =	wrdreg s25  }
0x26: {  	s8 =	sadd.s32 $0x1D1B0, s1;
	[dreg:$0x9] =	wrdreg s2  }
0x27: {  	s12 =	sadd.s32 $0x1B320, s1;
	[dreg:$0xa] =	wrdreg s8  }
0x28: {  	s13 =	sadd.s32 $0x19490, s1;
	[dreg:$0xb] =	wrdreg s12  }
0x29: {  	s14 =	sadd.s32 $0x17600, s1;
	[dreg:$0xc] =	wrdreg s13  }
0x2a: {  	s15 =	sadd.s32 $0x15780, s1;
	[dreg:$0xd] =	wrdreg s14  }
0x2b: {  	s22 =	srdreg.scid;
	s16 =	sadd.s32 $0x13900, s1;
	[dreg:$0xe] =	wrdreg s15  }
0x2c: {  	s19 =	sadd.s32 $0x11A80, s1;
	s5 =	sand.u32 $0x1, s22;
	[dreg:$0xf] =	wrdreg s16  }
0x2d: {  	s21 =	sadd.s32 $0xFC00, s1;
	s24 =	ssub.s32 $0x2, s5;
	[dreg:$0x10] =	wrdreg s19  }
0x2e: {  	s22 =	sadd.s32 $0xDD80, s1;
	s26 =	sshrl.u32 s24, $0x1;
	[dreg:$0x12] =	wrdreg s21  }
0x2f: {  	s6 =	ssub.s32 s24, s26;
	s24 =	sadd.s32 $0xA080, s1;
	[dreg:$0x13] =	wrdreg s22  }
0x30: {  	s26 =	sadd.s32 $0x6380, s1;
	[dreg:$0x15] =	wrdreg s24  }
0x31: {  	s29 =	sadd.s32 $0x4500, s1;
	[dreg:$0x17] =	wrdreg s26  }
0x32: {  	s7 =	sadd.s32 $0x89400, s4;
	[dreg:$0x18] =	wrdreg s29  }
0x33: {  	s23 =	sadd.s32 $0xBF00, s1;
	[smem:$0x7EE] =	sst s7  }
0x34: {  	s25 =	sadd.s32 $0x8200, s1;
	[dreg:$0x14] =	wrdreg s23  }
0x35: {  	s9 =	sadd.s32 $0x1F400, s1;
	s1 =	sadd.s32 $0x2680, s1;
	[dreg:$0x16] =	wrdreg s25  }
0x36: {  	s13 =	smax.u32 s6, $0x1;
	[dreg:$0x19] =	wrdreg s1  }
0x37: {  	s15 =	sshll.u32 s5, $0x13;
	[dreg:$0x1b] =	wrdreg s13  }
0x38: {  	[dreg:$0x1e] =	wrdreg s15  }
0x39: {  	s19 =	sld [smem:$0x7D9]  }
0x3a: {  	s21 =	sld [smem:$0x7DE]  }
0x3b: {  	s22 =	sld [smem:$0x7E0]  }
0x3c: {  	s23 =	sld [smem:$0x7E2]  }
0x3d: {  	s11 =	smul.u32 $0x19, s5;
	s26 =	sadd.s32 $0xD5900, s4;
	s24 =	sld [smem:$0x7E4]  }
0x3e: {  	s17 =	smul.u32 $0x6400, s5;
	s29 =	sadd.s32 $0xC6480, s4;
	[smem:$0x7E9] =	sst s26  }
0x3f: {  	s14 =	smul.u32 $0xC80, s5;
	s6 =	sadd.s32 $0x98800, s4;
	[smem:$0x7EA] =	sst s29  }
0x40: {  	s2 =	sadd.s32 $0x18, s11;
	s16 =	smul.u32 $0x64000, s5;
	[smem:$0x7ED] =	sst s6  }
0x41: {  	s8 =	sand.u32 $0x6000, s17;
	s11 =	sshll.u32 s5, $0x7;
	[dreg:$0x1d] =	wrdreg s14  }
0x42: {  	s12 =	sor.u32 s11, s8;
	s20 =	sor.u32 s17, s11;
	[dreg:$0x1f] =	wrdreg s16  }
0x43: {  	s25 =	sadd.s32 $0xE4D80, s4;
	s8 =	sor.u32 $0x1C00, s20;
	s20 =	sld [smem:$0x7DB]  }
0x44: {  	s30 =	simm.s32 $0xE380;
	s13 =	sadd.s32 $0x6AC00, s4;
	[smem:$0x7E8] =	sst s25  }
0x45: {  	s31 =	simm.s32 $0x80;
	s15 =	sadd.s32 $0x4C400, s4;
	[smem:$0x7F0] =	sst s13  }
0x46: {  	s28 =	simm.s32 $0x2;
	s10 =	sshll.u32 s0, $0xD;
	[smem:$0x7F2] =	sst s15  }
0x47: {  	s18 =	sshll.u32 s2, $0x7;
	s2 =	sshll.u32 s2, $0xE;
	[dreg:$0x11] =	wrdreg s12  }
0x48: {  	s2 =	sor.u32 s2, s18;
	s18 =	sadd.s32 $0x1, s5;
	[dreg:$0x1a] =	wrdreg s8  }
0x49: {  	p3 =	por @!p4 p5, p3;
	s14 =	sadd.s32 $0x5B800, s4;
	[smem:$0x7D8] =	sst s18  }
0x4a: {  	p0 =	sgt.s32 s0, $0x9;
	s16 =	sadd.s32 $0x3D000, s4;
	[smem:$0x7F1] =	sst s14  }
0x4b: {  	s25 =	sor.u32 $0x1000, s12;
	s26 =	sor.u32 $0x1400, s12;
	[smem:$0x7F3] =	sst s16  }
0x4c: {  	s29 =	sor.u32 $0x1800, s12;
	s2 =	sand.u32 $0xE0380, s2;
	[smem:$0x7FB] =	sst s25  }
0x4d: {  	s8 =	sshll.u32 s5, $0x5;
	s5 =	sadd.s32 $0xA7C00, s4;
	[smem:$0x7FC] =	sst s26  }
0x4e: {  	s18 =	sadd.s32 $0x2DC00, s4;
	[smem:$0x7FD] =	sst s29;
	s25 =	simm.s32 $0x1  }
0x4f: {  	s26 =	simm.s32 $0x400;
	s2 =	sor.u32 s10, s2;
	[smem:$0x7EC] =	sst s5  }
0x50: {  	p1 =	seq.s32 s19, $0x1;
	[smem:$0x7F4] =	sst s18;
	s11 =	sshrl.u32 s2, $0x3  }
0x51: {  	s19 =	sadd.s32 $0x1E800, s4;
	p1 =	por p1, !p4;
	s1 =	sadd.s32 s9, s11  }
0x52: {  	p5 =	seq.s32 s20, $0x1;
	[dreg:$0x1c] =	wrdreg s1;
	s1 =	simm.s32 @!p1 $0x0  }
0x53: {  	[smem:$0x7F5] =	sst s19;
	s1 =	simm.s32 @p1 $0x1;
	p1 =	por p5, !p4  }
0x54: {  	s2 =	sadd.s32 $0xB7000, s4;
	[smem:$0x7DA] =	sst s1;
	s1 =	simm.s32 @!p1 $0x0  }
0x55: {  	s20 =	sadd.s32 $0xF400, s4;
	s1 =	simm.s32 @p1 $0x1;
	p1 =	por p6, !p4  }
0x56: {  	p6 =	seq.s32 s21, $0x1;
	[smem:$0x7DC] =	sst s1;
	s1 =	simm.s32 @!p1 $0x0  }
0x57: {  	[smem:$0x7EB] =	sst s2;
	s1 =	simm.s32 @p1 $0x1;
	p1 =	por p6, !p4  }
0x58: {  	s11 =	sadd.s32 $0x7A000, s4;
	[smem:$0x7DD] =	sst s1;
	s1 =	simm.s32 @!p1 $0x0  }
0x59: {  	[smem:$0x7F6] =	sst s20;
	s1 =	simm.s32 @p1 $0x1;
	p1 =	seq.s32 s22, $0x1  }
0x5a: {  	s2 =	simm.s32 $0x0;
	[smem:$0x7EF] =	sst s11;
	p1 =	por p1, p4  }
0x5b: {  	p5 =	seq.s32 s23, $0x1;
	[smem:$0x7DF] =	sst s1;
	s1 =	simm.s32 @!p1 $0x0  }
0x5c: {  	s23 =	sor.u32 $0x800, s12;
	s1 =	simm.s32 @p1 $0x1;
	p1 =	por p5, p4  }
0x5d: {  	p6 =	seq.s32 s24, $0x1;
	[smem:$0x7E1] =	sst s1;
	s1 =	simm.s32 @!p1 $0x0  }
0x5e: {  	[smem:$0x7F9] =	sst s23;
	s1 =	simm.s32 @p1 $0x1;
	p1 =	por p6, p4  }
0x5f: {  	s21 =	sadd.s32 $0xF4200, s4;
	[smem:$0x7E3] =	sst s1;
	s1 =	simm.s32 @!p1 $0x0  }
0x60: {  	[smem:$0x7F7] =	sst s21;
	s1 =	simm.s32 @p1 $0x1;
	p1 =	por p3, p4  }
0x61: {  	s24 =	sor.u32 $0xC00, s12;
	[smem:$0x7E5] =	sst s1;
	s1 =	simm.s32 @!p1 $0x0  }
0x62: {  	s21 =	simm.s32 $0xE300;
	[smem:$0x7FA] =	sst s24;
	s1 =	simm.s32 @p1 $0x1  }
0x63: {  	s22 =	sor.u32 $0x400, s12;
	[smem:$0x7E6] =	sst s1;
	s1 =	simm.s32 @!p0 $0x0  }
0x64: {  	[smem:$0x7F8] =	sst s22;
	s22 =	simm.s32 $0xE000;
	s1 =	simm.s32 @p0 $0x1  }
0x65: {  	p5 =	sgt.s32 s0, $0x7;
	p6 =	sgt.s32 s0, $0x3;
	[smem:$0x7E7] =	sst s1  }
.LBB2_1:
0x66: {  	[smem:$0x7D0] =	sst s2  }
0x67: {  	s1 =	simm.s32 $0x0;
	s24 =	rddreg [dreg:$0x9]  }
0x68: {  	s5 =	simm.s32 $0x2000;
	s6 =	simm.s32 $0x20000;
	s29 =	simm.s32 $0x3  }
0x69: {  	[tilespmem:s1], [sflag:$0x3] =	stream.strided.gather [hbm4b:s24+s5], $0xE000, s6, s5, $0x38;
	[tilespmem:$0x1F428] =	vst v63  }
0x6a: {  	_ =	swait.ge [sflag:s29], $0xE000  }
0x6b: {  	s13 =	simm.s32 $0x0;
	[sflag:s29] =	ssyncset.done $0x0  }
0x6c: {  	s6 =	simm.s32 $0x0;
	s12 =	rddreg [dreg:$0x1e];
	[sflag:s29] =	ssyncadd.s32 $0xFFFF2000  }
.LBB2_2:
0x6d: {  	s1 =	sadd.s32 s8, s13  }
0x6e: {  	s2 =	sshrl.u32 s1, $0x3  }
0x6f: {  	s2 =	smul.u32 $0x7A1400, s2  }
.Ltmp0:
0x70: {  	s5 =	sshll.u32 s13, $0x7;
	(pc) =	sbr.rel @p5 .LBB2_6-.Ltmp0, $4  }
0x71: {  	s14 =	sand.u32 $0x380, s5  }
0x72: {  	s2 =	sor.u32 s14, s2  }
0x73: {  	s29 =	rddreg [dreg:$0x1];
	s2 =	sshrl.u32 s2, $0x3  }
0x74: {  	s5 =	sadd.s32 s29, s2  }
.Ltmp1:
0x75: {  	(pc) =	sbr.rel @p6 .LBB2_5-.Ltmp1, $1  }
0x76: {  	_ =	sdelay $0x3  }
0x77: {  	s2 =	sld [smem:$0x7D1]  }
0x78: {  	s7 =	sld [smem:$0x7F5];
	_ =	sdelay $0x1  }
0x79: {  	p1 =	seq.s32 s2, $0x1  }
0x7a: {  	s2 =	sadd.s32 @!p1 $0x1E800, s5;
	s11 =	sshrl.u32 @!p1 s7, $0x3;
	s16 =	simm.s32 @!p1 $0x1  }
0x7b: {  	s19 =	simm.s32 @!p1 $0x10;
	s23 =	simm.s32 @!p1 $0x80;
	s29 =	simm.s32 @!p1 $0x1C83  }
0x7c: {  	[spmem:s11@s19], [sflag:s29] =	dma.strided @!p1 [hbm:s2@s23], $0x1E80, s16, $0x10   }
0x7d: {  	s2 =	simm.s32 @!p1 $0x3  }
0x7e: {  	_ =	swait.ge @!p1 [sflag:s2], $0x1E80  }
0x7f: {  	s24 =	sld [smem:$0x7D2]  }
0x80: {  	s7 =	sld [smem:$0x7F4]  }
0x81: {  	[sflag:s2] =	ssyncset.done @!p1 $0x0  }
0x82: {  	[sflag:s2] =	ssyncadd.s32 @!p1 $0xFFFFE180;
	p1 =	seq.s32 s24, $0x1  }
0x83: {  	s2 =	sadd.s32 @!p1 $0x2DC00, s5;
	s11 =	sshrl.u32 @!p1 s7, $0x3;
	s16 =	simm.s32 @!p1 $0x1  }
0x84: {  	s19 =	simm.s32 @!p1 $0x10;
	s23 =	simm.s32 @!p1 $0x80;
	s29 =	simm.s32 @!p1 $0x1CC3  }
0x85: {  	[spmem:s11@s19], [sflag:s29] =	dma.strided @!p1 [hbm:s2@s23], $0x1E80, s16, $0x10   }
0x86: {  	s2 =	simm.s32 @!p1 $0x3  }
0x87: {  	s11 =	simm.s32 @!p2 $0x1;
	_ =	swait.ge @!p1 [sflag:s2], $0x1E80  }
0x88: {  	s16 =	simm.s32 @!p2 $0x10;
	s19 =	simm.s32 @!p2 $0x80;
	[sflag:s2] =	ssyncset.done @!p1 $0x0  }
0x89: {  	s23 =	simm.s32 @!p2 $0x1C03;
	[sflag:s2] =	ssyncadd.s32 @!p1 $0xFFFFE180;
	s2 =	sshrl.u32 @!p2 s4, $0x3  }
0x8a: {  	[spmem:s2@s16], [sflag:s23] =	dma.strided @!p2 [hbm:s5@s19], $0x1E80, s11, $0x10   }
0x8b: {  	s2 =	simm.s32 @!p2 $0x3  }
0x8c: {  	_ =	swait.ge @!p2 [sflag:s2], $0x1E80  }
0x8d: {  	[sflag:s2] =	ssyncset.done @!p2 $0x0  }
0x8e: {  	[sflag:s2] =	ssyncadd.s32 @!p2 $0xFFFFE180  }
0x8f: {  	s11 =	sshll.u32 @!p2 s1, $0x4;
	s7 =	rddreg [dreg:$0x3]  }
0x90: {  	s11 =	sadd.s32 @!p2 s7, s11;
	s7 =	sld [smem:$0x7F7];
	_ =	sdelay $0x2  }
0x91: {  	s16 =	sshrl.u32 @!p2 s7, $0x3  }
0x92: {  	[spmem:s16], [sflag:s23] =	dma.local @!p2 [hbm:s11], $0x10  }
0x93: {  	_ =	swait.ge @!p2 [sflag:s2], $0x10  }
0x94: {  	s29 =	sld [smem:$0x7D3];
	_ =	sdelay $0x2  }
0x95: {  	[sflag:s2] =	ssyncset.done @!p2 $0x0;
	p1 =	seq.s32 s29, $0x1  }
0x96: {  	[sflag:s2] =	ssyncadd.s32 @!p2 $0xFFFFFFF0;
	s2 =	sadd.s32 @!p1 $0xF400, s5;
	s5 =	sld [smem:$0x7F6]  }
0x97: {  	_ = 	snop  }
0x98: {  	s11 =	simm.s32 @!p1 $0x1;
	s16 =	simm.s32 @!p1 $0x10  }
0x99: {  	s19 =	simm.s32 @!p1 $0x80;
	s23 =	simm.s32 @!p1 $0x1C43;
	s5 =	sshrl.u32 @!p1 s5, $0x3  }
0x9a: {  	[spmem:s5@s16], [sflag:s23] =	dma.strided @!p1 [hbm:s2@s19], $0x1E80, s11, $0x10   }
.Ltmp2:
0x9b: {  	_ = 	snop;
	(pc) =	sbr.rel .LBB2_9-.Ltmp2, $4  }
0x9c: {  	s2 =	simm.s32 @!p1 $0x3  }
0x9d: {  	_ =	swait.ge @!p1 [sflag:s2], $0x1E80  }
0x9e: {  	[sflag:s2] =	ssyncset.done @!p1 $0x0  }
0x9f: {  	[sflag:s2] =	ssyncadd.s32 @!p1 $0xFFFFE180  }
.LBB2_6:
.Ltmp3:
0xa0: {  	(pc) =	sbr.rel @p4 .LBB2_8-.Ltmp3, $1  }
0xa1: {  	_ =	sdelay $0x3  }
0xa2: {  	s2 =	sld [smem:$0x7E7];
	_ =	sdelay $0x2  }
0xa3: {  	s7 =	sld [smem:$0x7ED];
	p0 =	seq.s32 s2, $0x1  }
0xa4: {  	p1 =	seq.s32 @p0 s0, $0xA  }
0xa5: {  	p3 =	por !p1, !p0  }
0xa6: {  	s2 =	sadd.s32 @!p3 $0x98800, s5;
	s11 =	sshrl.u32 @!p3 s7, $0x3;
	s16 =	simm.s32 @!p3 $0x1  }
0xa7: {  	s19 =	simm.s32 @!p3 $0x10;
	s23 =	simm.s32 @!p3 $0x80;
	s29 =	simm.s32 @!p3 $0x1E83  }
0xa8: {  	[spmem:s11@s19], [sflag:s29] =	dma.strided @!p3 [hbm:s2@s23], $0x1E80, s16, $0x10   }
0xa9: {  	s2 =	simm.s32 @!p3 $0x3  }
0xaa: {  	_ =	swait.ge @!p3 [sflag:s2], $0x1E80  }
0xab: {  	p1 =	por p1, !p0;
	s7 =	sld [smem:$0x7EC]  }
0xac: {  	s16 =	simm.s32 @!p1 $0x1;
	s19 =	simm.s32 @!p1 $0x10  }
0xad: {  	s23 =	simm.s32 @!p1 $0x80;
	s29 =	simm.s32 @!p1 $0x1EC3;
	[sflag:s2] =	ssyncset.done @!p3 $0x0  }
0xae: {  	[sflag:s2] =	ssyncadd.s32 @!p3 $0xFFFFE180;
	s2 =	sadd.s32 @!p1 $0xA7C00, s5;
	s11 =	sshrl.u32 @!p1 s7, $0x3  }
0xaf: {  	[spmem:s11@s19], [sflag:s29] =	dma.strided @!p1 [hbm:s2@s23], $0x1E80, s16, $0x10   }
0xb0: {  	s2 =	simm.s32 @!p1 $0x3  }
0xb1: {  	_ =	swait.ge @!p1 [sflag:s2], $0x1E80  }
0xb2: {  	p3 =	seq.s32 @!p0 s0, $0x8;
	[sflag:s2] =	ssyncset.done @!p1 $0x0;
	s7 =	sld [smem:$0x7EF]  }
0xb3: {  	[sflag:s2] =	ssyncadd.s32 @!p1 $0xFFFFE180;
	p1 =	por !p3, p0  }
0xb4: {  	s2 =	sadd.s32 @!p1 $0x7A000, s5;
	s16 =	simm.s32 @!p1 $0x1;
	s19 =	simm.s32 @!p1 $0x10  }
0xb5: {  	s23 =	simm.s32 @!p1 $0x80;
	s29 =	simm.s32 @!p1 $0x1E03;
	s11 =	sshrl.u32 @!p1 s7, $0x3  }
0xb6: {  	[spmem:s11@s19], [sflag:s29] =	dma.strided @!p1 [hbm:s2@s23], $0x1E80, s16, $0x10   }
0xb7: {  	s2 =	simm.s32 @!p1 $0x3  }
0xb8: {  	_ =	swait.ge @!p1 [sflag:s2], $0x1E80  }
0xb9: {  	[sflag:s2] =	ssyncset.done @!p1 $0x0  }
0xba: {  	[sflag:s2] =	ssyncadd.s32 @!p1 $0xFFFFE180;
	p1 =	por p3, p0  }
0xbb: {  	s2 =	sadd.s32 @!p1 $0x89400, s5;
	s5 =	sld [smem:$0x7EE];
	_ =	sdelay $0x1  }
0xbc: {  	s11 =	simm.s32 @!p1 $0x1;
	s16 =	simm.s32 @!p1 $0x10  }
0xbd: {  	s19 =	simm.s32 @!p1 $0x80;
	s23 =	simm.s32 @!p1 $0x1E43;
	s5 =	sshrl.u32 @!p1 s5, $0x3  }
0xbe: {  	[spmem:s5@s16], [sflag:s23] =	dma.strided @!p1 [hbm:s2@s19], $0x1E80, s11, $0x10   }
.Ltmp4:
0xbf: {  	_ = 	snop;
	(pc) =	sbr.rel .LBB2_9-.Ltmp4, $4  }
0xc0: {  	s2 =	simm.s32 @!p1 $0x3  }
0xc1: {  	_ =	swait.ge @!p1 [sflag:s2], $0x1E80  }
0xc2: {  	[sflag:s2] =	ssyncset.done @!p1 $0x0  }
0xc3: {  	[sflag:s2] =	ssyncadd.s32 @!p1 $0xFFFFE180  }
.LBB2_5:
0xc4: {  	s2 =	sld [smem:$0x7D4]  }
0xc5: {  	s7 =	sld [smem:$0x7F1];
	_ =	sdelay $0x1  }
0xc6: {  	p1 =	seq.s32 s2, $0x1  }
0xc7: {  	s2 =	sadd.s32 @!p1 $0x5B800, s5;
	s11 =	sshrl.u32 @!p1 s7, $0x3;
	s16 =	simm.s32 @!p1 $0x1  }
0xc8: {  	s19 =	simm.s32 @!p1 $0x10;
	s23 =	simm.s32 @!p1 $0x80;
	s29 =	simm.s32 @!p1 $0x1D83  }
0xc9: {  	[spmem:s11@s19], [sflag:s29] =	dma.strided @!p1 [hbm:s2@s23], $0x1E80, s16, $0x10   }
0xca: {  	s2 =	simm.s32 @!p1 $0x3  }
0xcb: {  	_ =	swait.ge @!p1 [sflag:s2], $0x1E80  }
0xcc: {  	s23 =	sld [smem:$0x7D5]  }
0xcd: {  	s7 =	sld [smem:$0x7F0]  }
0xce: {  	[sflag:s2] =	ssyncset.done @!p1 $0x0  }
0xcf: {  	[sflag:s2] =	ssyncadd.s32 @!p1 $0xFFFFE180;
	p1 =	seq.s32 s23, $0x1  }
0xd0: {  	s2 =	sadd.s32 @!p1 $0x6AC00, s5;
	s11 =	sshrl.u32 @!p1 s7, $0x3;
	s16 =	simm.s32 @!p1 $0x1  }
0xd1: {  	s19 =	simm.s32 @!p1 $0x10;
	s23 =	simm.s32 @!p1 $0x80;
	s29 =	simm.s32 @!p1 $0x1DC3  }
0xd2: {  	[spmem:s11@s19], [sflag:s29] =	dma.strided @!p1 [hbm:s2@s23], $0x1E80, s16, $0x10   }
0xd3: {  	s2 =	simm.s32 @!p1 $0x3  }
0xd4: {  	_ =	swait.ge @!p1 [sflag:s2], $0x1E80  }
0xd5: {  	s24 =	sld [smem:$0x7D6]  }
0xd6: {  	s7 =	sld [smem:$0x7F3]  }
0xd7: {  	[sflag:s2] =	ssyncset.done @!p1 $0x0  }
0xd8: {  	[sflag:s2] =	ssyncadd.s32 @!p1 $0xFFFFE180;
	p1 =	seq.s32 s24, $0x1  }
0xd9: {  	s2 =	sadd.s32 @!p1 $0x3D000, s5;
	s11 =	sshrl.u32 @!p1 s7, $0x3;
	s16 =	simm.s32 @!p1 $0x1  }
0xda: {  	s19 =	simm.s32 @!p1 $0x10;
	s23 =	simm.s32 @!p1 $0x80;
	s29 =	simm.s32 @!p1 $0x1D03  }
0xdb: {  	[spmem:s11@s19], [sflag:s29] =	dma.strided @!p1 [hbm:s2@s23], $0x1E80, s16, $0x10   }
0xdc: {  	s2 =	simm.s32 @!p1 $0x3  }
0xdd: {  	_ =	swait.ge @!p1 [sflag:s2], $0x1E80  }
0xde: {  	s29 =	sld [smem:$0x7D7];
	_ =	sdelay $0x2  }
0xdf: {  	[sflag:s2] =	ssyncset.done @!p1 $0x0;
	p0 =	seq.s32 s29, $0x1  }
0xe0: {  	[sflag:s2] =	ssyncadd.s32 @!p1 $0xFFFFE180;
	s2 =	sadd.s32 @!p0 $0x4C400, s5;
	s5 =	sld [smem:$0x7F2]  }
0xe1: {  	_ = 	snop  }
0xe2: {  	s11 =	simm.s32 @!p0 $0x1;
	s16 =	simm.s32 @!p0 $0x10  }
0xe3: {  	s19 =	simm.s32 @!p0 $0x80;
	s23 =	simm.s32 @!p0 $0x1D43;
	s5 =	sshrl.u32 @!p0 s5, $0x3  }
0xe4: {  	[spmem:s5@s16], [sflag:s23] =	dma.strided @!p0 [hbm:s2@s19], $0x1E80, s11, $0x10   }
.Ltmp5:
0xe5: {  	_ = 	snop;
	(pc) =	sbr.rel .LBB2_9-.Ltmp5, $4  }
0xe6: {  	s2 =	simm.s32 @!p0 $0x3  }
0xe7: {  	_ =	swait.ge @!p0 [sflag:s2], $0x1E80  }
0xe8: {  	[sflag:s2] =	ssyncset.done @!p0 $0x0  }
0xe9: {  	[sflag:s2] =	ssyncadd.s32 @!p0 $0xFFFFE180  }
.LBB2_8:
0xea: {  	p1 =	sgt.s32 s0, $0xD;
	s7 =	sld [smem:$0x7E9]  }
0xeb: {  	p0 =	por p6, p6;
	p3 =	seq.s32 @p1 s0, $0xE  }
0xec: {  	p6 =	por p5, p5;
	p5 =	por p4, p4;
	p4 =	por !p3, !p1  }
0xed: {  	s2 =	sadd.s32 @!p4 $0xD5900, s5;
	s11 =	sshrl.u32 @!p4 s7, $0x3;
	s16 =	simm.s32 @!p4 $0x1  }
0xee: {  	s19 =	simm.s32 @!p4 $0x10;
	s23 =	simm.s32 @!p4 $0x80;
	s29 =	simm.s32 @!p4 $0x1F83  }
0xef: {  	[spmem:s11@s19], [sflag:s29] =	dma.strided @!p4 [hbm:s2@s23], $0x1E90, s16, $0x10   }
0xf0: {  	s2 =	simm.s32 @!p4 $0x3  }
0xf1: {  	_ =	swait.ge @!p4 [sflag:s2], $0x1E90  }
0xf2: {  	p3 =	por p3, !p1;
	s7 =	sld [smem:$0x7E8]  }
0xf3: {  	s16 =	simm.s32 @!p3 $0x1;
	s19 =	simm.s32 @!p3 $0x10  }
0xf4: {  	s23 =	simm.s32 @!p3 $0x80;
	s29 =	simm.s32 @!p3 $0x1FC3;
	[sflag:s2] =	ssyncset.done @!p4 $0x0  }
0xf5: {  	[sflag:s2] =	ssyncadd.s32 @!p4 $0xFFFFE170;
	s2 =	sadd.s32 @!p3 $0xE4D80, s5;
	s11 =	sshrl.u32 @!p3 s7, $0x3  }
0xf6: {  	[spmem:s11@s19], [sflag:s29] =	dma.strided @!p3 [hbm:s2@s23], $0x1E90, s16, $0x10   }
0xf7: {  	s2 =	simm.s32 @!p3 $0x3  }
0xf8: {  	_ =	swait.ge @!p3 [sflag:s2], $0x1E90  }
0xf9: {  	p4 =	seq.s32 @!p1 s0, $0xC;
	[sflag:s2] =	ssyncset.done @!p3 $0x0;
	s7 =	sld [smem:$0x7EB]  }
0xfa: {  	[sflag:s2] =	ssyncadd.s32 @!p3 $0xFFFFE170;
	p3 =	por !p4, p1  }
0xfb: {  	s2 =	sadd.s32 @!p3 $0xB7000, s5;
	s16 =	simm.s32 @!p3 $0x1;
	s19 =	simm.s32 @!p3 $0x10  }
0xfc: {  	s23 =	simm.s32 @!p3 $0x80;
	s29 =	simm.s32 @!p3 $0x1F03;
	s11 =	sshrl.u32 @!p3 s7, $0x3  }
0xfd: {  	[spmem:s11@s19], [sflag:s29] =	dma.strided @!p3 [hbm:s2@s23], $0x1E90, s16, $0x10   }
0xfe: {  	s2 =	simm.s32 @!p3 $0x3  }
0xff: {  	_ =	swait.ge @!p3 [sflag:s2], $0x1E90  }
0x100: {  	p1 =	por p4, p1;
	[sflag:s2] =	ssyncset.done @!p3 $0x0  }
0x101: {  	[sflag:s2] =	ssyncadd.s32 @!p3 $0xFFFFE170;
	s2 =	sadd.s32 @!p1 $0xC6480, s5;
	s5 =	sld [smem:$0x7EA]  }
0x102: {  	_ = 	snop  }
0x103: {  	s11 =	simm.s32 @!p1 $0x1;
	s16 =	simm.s32 @!p1 $0x10  }
0x104: {  	s19 =	simm.s32 @!p1 $0x80;
	s23 =	simm.s32 @!p1 $0x1F43;
	s5 =	sshrl.u32 @!p1 s5, $0x3  }
0x105: {  	[spmem:s5@s16], [sflag:s23] =	dma.strided @!p1 [hbm:s2@s19], $0x1E90, s11, $0x10   }
0x106: {  	s2 =	simm.s32 @!p1 $0x3  }
0x107: {  	_ =	swait.ge @!p1 [sflag:s2], $0x1E90  }
0x108: {  	p4 =	por p5, p5;
	[sflag:s2] =	ssyncset.done @!p1 $0x0  }
0x109: {  	p5 =	por p6, p6;
	p6 =	por p0, p0;
	[sflag:s2] =	ssyncadd.s32 @!p1 $0xFFFFE170  }
.LBB2_9:
0x10a: {  	[bflag:$0x0] =	sbarrier.arrive $0xFFFF  }
0x10b: {  	s2 =	simm.s32 $0x80;
	s23 =	simm.s32 $0x0;
	s5 =	simm.s32 $0x400  }
0x10c: {  	s7 =	simm.s32 $0xE080;
	s24 =	simm.s32 $0x800;
	s11 =	simm.s32 $0xE100  }
0x10d: {  	[tilespmem:s22], [sflag:$0x1] =	stream.indirect.gather [spmem:s4], $0x1, s23, s2, $0xb8;
	[tilespmem:$0x1F428] =	vst v63  }
0x10e: {  	s15 =	simm.s32 $0xC00;
	s16 =	simm.s32 $0xE180;
	s18 =	simm.s32 $0x1000  }
0x10f: {  	[tilespmem:s7], [sflag:$0x1] =	stream.indirect.gather [spmem:s4], $0x1, s5, s2, $0xb8;
	[tilespmem:$0x1F428] =	vst v63  }
0x110: {  	s19 =	simm.s32 $0xE200;
	s20 =	sand.u32 $0xFFFE0000, s12;
	s1 =	sshll.u32 s1, $0xE  }
0x111: {  	[tilespmem:s11], [sflag:$0x1] =	stream.indirect.gather [spmem:s4], $0x1, s24, s2, $0xb8;
	[tilespmem:$0x1F428] =	vst v63  }
0x112: {  	p1 =	por $0x1, $0x1;
	s29 =	sand.u32 $0x1C00, s5;
	s1 =	sand.u32 $0xE0000, s1  }
0x113: {  	[tilespmem:s16], [sflag:$0x1] =	stream.indirect.gather [spmem:s4], $0x1, s15, s2, $0xb8;
	[tilespmem:$0x1F428] =	vst v63  }
0x114: {  	s23 =	sand.u32 $0x7000, s23;
	s24 =	simm.s32 $0x1400;
	s16 =	sand.u32 $0x7, s6  }
0x115: {  	[tilespmem:s19], [sflag:$0x1] =	stream.indirect.gather [spmem:s4], $0x1, s18, s2, $0xb8;
	[tilespmem:$0x1F428] =	vst v63  }
0x116: {  	s11 =	sor.u32 s20, s10;
	s15 =	simm.s32 $0xE280;
	s16 =	sshll.u32 s16, $0x7  }
0x117: {  	[tilespmem:s15], [sflag:$0x1] =	stream.indirect.gather [spmem:s4], $0x1, s24, s2, $0xb8;
	[tilespmem:$0x1F428] =	vst v63  }
0x118: {  	s1 =	sor.u32 s14, s1;
	s11 =	sadd.s32 s16, s11;
	s15 =	simm.s32 $0x1800  }
0x119: {  	[tilespmem:s21], [sflag:$0x1] =	stream.indirect.gather [spmem:s4], $0x1, s15, s2, $0xb8;
	[tilespmem:$0x1F428] =	vst v63  }
0x11a: {  	s5 =	sand.u32 $0x1E000, s5;
	s16 =	simm.s32 $0x1C00;
	s11 =	sshrl.u32 s11, $0x3  }
0x11b: {  	[tilespmem:s30], [sflag:$0x1] =	stream.indirect.gather [spmem:s4], $0x1, s16, s2, $0xb8;
	[tilespmem:$0x1F428] =	vst v63  }
0x11c: {  	s16 =	sadd.s32 s11, s3;
	s11 =	simm.s32 @!p1 $0x2;
	p1 =	por p1, p1  }
0x11d: {  	s1 =	sor.u32 s1, s10;
	s18 =	sor.u32 $0xE000, s29;
	_ =	swait.ge @!p1 [sflag:s11], $0x400  }
0x11e: {  	s19 =	sor.u32 $0xE080, s29;
	s2 =	sand.u32 $0x380, s2;
	[sflag:s11] =	ssyncset.done @!p1 $0x0  }
0x11f: {  	s24 =	sor.u32 $0xE100, s29;
	s2 =	sor.u32 s2, s5;
	[sflag:s11] =	ssyncadd.s32 @!p1 $0xFFFFFC00  }
0x120: {  	[tilespmem:s18], [sflag:$0x1] =	stream.indirect.gather [spmem:s4], $0x1, s2, s31, $0xb8;
	[tilespmem:$0x1F428] =	vst v63  }
0x121: {  	s15 =	simm.s32 $0x1;
	s5 =	simm.s32 $0x1000;
	s20 =	sor.u32 $0x400, s2  }
0x122: {  	[tilespmem:s19], [sflag:$0x1] =	stream.indirect.gather [spmem:s4], $0x1, s20, s31, $0xb8;
	[tilespmem:$0x1F428] =	vst v63  }
0x123: {  	s7 =	sor.u32 $0x800, s2;
	s14 =	sor.u32 $0xC00, s2;
	s11 =	sor.u32 $0xE180, s29  }
0x124: {  	[tilespmem:s24], [sflag:$0x1] =	stream.indirect.gather [spmem:s4], $0x1, s7, s31, $0xb8;
	[tilespmem:$0x1F428] =	vst v63  }
0x125: {  	p1 =	por $0x1, $0x1;
	s18 =	sor.u32 $0xE200, s29;
	s19 =	sor.u32 $0x1000, s2  }
0x126: {  	[tilespmem:s11], [sflag:$0x1] =	stream.indirect.gather [spmem:s4], $0x1, s14, s31, $0xb8;
	[tilespmem:$0x1F428] =	vst v63  }
0x127: {  	s20 =	sor.u32 $0xE280, s29;
	s24 =	sor.u32 $0x1400, s2;
	s11 =	sand.u32 $0x7, s15  }
0x128: {  	[tilespmem:s18], [sflag:$0x1] =	stream.indirect.gather [spmem:s4], $0x1, s19, s31, $0xb8;
	[tilespmem:$0x1F428] =	vst v63  }
0x129: {  	s2 =	sor.u32 $0x1800, s2;
	s15 =	sor.u32 $0xE300, s29;
	s7 =	sshll.u32 s11, $0x7  }
0x12a: {  	[tilespmem:s20], [sflag:$0x1] =	stream.indirect.gather [spmem:s4], $0x1, s24, s31, $0xb8;
	[tilespmem:$0x1F428] =	vst v63  }
0x12b: {  	s14 =	sadd.s32 $0x20000, s16;
	s11 =	simm.s32 $0x100;
	s18 =	sadd.s32 $0x400, s7  }
0x12c: {  	[tilespmem:s15], [sflag:$0x1] =	stream.indirect.gather [spmem:s4], $0x1, s2, s31, $0xb8;
	[tilespmem:$0x1F428] =	vst v63  }
0x12d: {  	s19 =	simm.s32 $0x2;
	s20 =	sor.u32 $0xE380, s29;
	s29 =	sor.u32 $0x1C00, s18  }
0x12e: {  	[tilespmem:s20], [sflag:$0x1] =	stream.indirect.gather [spmem:s4], $0x1, s29, s31, $0xb8;
	[tilespmem:$0x1F428] =	vst v63  }
0x12f: {  	s24 =	sshrl.u32 s23, $0x2;
	s23 =	simm.s32 $0x800;
	_ =	swait.ge [sflag:s25], $0x400  }
0x130: {  	s2 =	simm.s32 $0x2;
	s29 =	sor.u32 $0xE000, s24;
	[sflag:s25] =	ssyncset.done $0x0  }
.LBB2_10:
0x131: {  	s20 =	simm.s32 @!p1 $0x2;
	[sflag:s25] =	ssyncadd.s32 $0xFFFFFC00  }
0x132: {  	s7 =	smov.u32 s5;
	p3 =	por p1, p1;
	p1 =	slt.u32 s19, $0x7  }
0x133: {  	[hbm4b:s16+s31] =	stream.strided.scatter [tilespmem:s29], [sflag:$0x2], $0x400, s26, s31, $0x38;
	[tilespmem:$0x1F428] =	vst v63  }
0x134: {  	s19 =	sadd.s32 $0x1, s19;
	s16 =	sand.u32 $0x380, s11;
	_ =	swait.ge @!p3 [sflag:s20], $0x400  }
0x135: {  	s24 =	sand.u32 $0x1E000, s23;
	s29 =	sand.u32 $0x1C00, s23;
	[sflag:s20] =	ssyncset.done @!p3 $0x0  }
0x136: {  	s24 =	sor.u32 s16, s24;
	[sflag:s20] =	ssyncadd.s32 @!p3 $0xFFFFFC00;
	s20 =	sor.u32 $0xE000, s29  }
0x137: {  	[tilespmem:s20], [sflag:$0x1] =	stream.indirect.gather [spmem:s4], $0x1, s24, s31, $0xb8;
	[tilespmem:$0x1F428] =	vst v63  }
0x138: {  	s16 =	sor.u32 $0xE080, s29;
	p3 =	sne.s32 s19, $0x31;
	s20 =	sor.u32 $0x400, s24  }
0x139: {  	[tilespmem:s16], [sflag:$0x1] =	stream.indirect.gather [spmem:s4], $0x1, s20, s31, $0xb8;
	[tilespmem:$0x1F428] =	vst v63  }
0x13a: {  	s15 =	sor.u32 $0x800, s24;
	s20 =	sor.u32 $0xE100, s29;
	s16 =	smov.u32 s14  }
0x13b: {  	[tilespmem:s20], [sflag:$0x1] =	stream.indirect.gather [spmem:s4], $0x1, s15, s31, $0xb8;
	[tilespmem:$0x1F428] =	vst v63  }
0x13c: {  	s5 =	sadd.s32 $0x1000, s5;
	s15 =	sor.u32 $0xE180, s29;
	s20 =	sor.u32 $0xC00, s24  }
0x13d: {  	[tilespmem:s15], [sflag:$0x1] =	stream.indirect.gather [spmem:s4], $0x1, s20, s31, $0xb8;
	[tilespmem:$0x1F428] =	vst v63  }
0x13e: {  	s11 =	sadd.s32 $0x80, s11;
	s15 =	sor.u32 $0xE200, s29;
	s20 =	sor.u32 $0x1000, s24  }
0x13f: {  	[tilespmem:s15], [sflag:$0x1] =	stream.indirect.gather [spmem:s4], $0x1, s20, s31, $0xb8;
	[tilespmem:$0x1F428] =	vst v63  }
0x140: {  	s18 =	sor.u32 $0x1400, s24;
	s15 =	sand.u32 $0x7, s2;
	s20 =	sor.u32 $0xE280, s29  }
0x141: {  	[tilespmem:s20], [sflag:$0x1] =	stream.indirect.gather [spmem:s4], $0x1, s18, s31, $0xb8;
	[tilespmem:$0x1F428] =	vst v63  }
0x142: {  	s15 =	sshll.u32 s15, $0x7;
	s18 =	sor.u32 $0xE300, s29;
	s20 =	sor.u32 $0x1800, s24  }
0x143: {  	[tilespmem:s18], [sflag:$0x1] =	stream.indirect.gather [spmem:s4], $0x1, s20, s31, $0xb8;
	[tilespmem:$0x1F428] =	vst v63  }
.Ltmp6:
0x144: {  	s15 =	sadd.s32 s15, s23;
	s18 =	sor.u32 $0xE380, s29;
	(pc) =	sbr.rel @p3 .LBB2_10-.Ltmp6, $4  }
0x145: {  	s7 =	sand.u32 $0x7000, s7;
	s2 =	sadd.s32 $0x1, s2;
	s15 =	sor.u32 $0x1C00, s15  }
0x146: {  	[tilespmem:s18], [sflag:$0x1] =	stream.indirect.gather [spmem:s4], $0x1, s15, s31, $0xb8;
	[tilespmem:$0x1F428] =	vst v63  }
0x147: {  	s7 =	sshrl.u32 s7, $0x2;
	s23 =	sadd.s32 $0x400, s23;
	_ =	swait.ge [sflag:s25], $0x400  }
0x148: {  	s14 =	sadd.s32 $0x20000, s14;
	s29 =	sor.u32 $0xE000, s7;
	[sflag:s25] =	ssyncset.done $0x0  }
0x149: {  	s7 =	simm.s32 @!p1 $0x2;
	[sflag:s25] =	ssyncadd.s32 $0xFFFFFC00;
	p1 =	por p1, p1  }
0x14a: {  	[hbm4b:s16+s31] =	stream.strided.scatter [tilespmem:s29], [sflag:$0x2], $0x400, s26, s31, $0x38;
	[tilespmem:$0x1F428] =	vst v63  }
0x14b: {  	s11 =	sand.u32 $0x380, s11;
	_ =	swait.ge @!p1 [sflag:s7], $0x400  }
0x14c: {  	s15 =	sand.u32 $0x1C00, s23;
	s20 =	sand.u32 $0x1E000, s23;
	[sflag:s7] =	ssyncset.done @!p1 $0x0  }
0x14d: {  	s24 =	sor.u32 $0xE000, s15;
	s11 =	sor.u32 s11, s20;
	[sflag:s7] =	ssyncadd.s32 @!p1 $0xFFFFFC00  }
0x14e: {  	[tilespmem:s24], [sflag:$0x1] =	stream.indirect.gather [spmem:s4], $0x1, s11, s31, $0xb8;
	[tilespmem:$0x1F428] =	vst v63  }
0x14f: {  	s29 =	sor.u32 $0xE080, s15;
	s16 =	sor.u32 $0x400, s11  }
0x150: {  	[tilespmem:s29], [sflag:$0x1] =	stream.indirect.gather [spmem:s4], $0x1, s16, s31, $0xb8;
	[tilespmem:$0x1F428] =	vst v63  }
0x151: {  	s18 =	sor.u32 $0x800, s11;
	s16 =	sor.u32 $0xE100, s15  }
0x152: {  	[tilespmem:s16], [sflag:$0x1] =	stream.indirect.gather [spmem:s4], $0x1, s18, s31, $0xb8;
	[tilespmem:$0x1F428] =	vst v63  }
0x153: {  	s19 =	sor.u32 $0xE180, s15;
	s20 =	sor.u32 $0xC00, s11  }
0x154: {  	[tilespmem:s19], [sflag:$0x1] =	stream.indirect.gather [spmem:s4], $0x1, s20, s31, $0xb8;
	[tilespmem:$0x1F428] =	vst v63  }
0x155: {  	s2 =	sand.u32 $0x7, s2;
	s24 =	sor.u32 $0xE200, s15;
	s29 =	sor.u32 $0x1000, s11  }
0x156: {  	[tilespmem:s24], [sflag:$0x1] =	stream.indirect.gather [spmem:s4], $0x1, s29, s31, $0xb8;
	[tilespmem:$0x1F428] =	vst v63  }
0x157: {  	s2 =	sshll.u32 s2, $0x7;
	s18 =	sor.u32 $0xE280, s15;
	s19 =	sor.u32 $0x1400, s11  }
0x158: {  	[tilespmem:s18], [sflag:$0x1] =	stream.indirect.gather [spmem:s4], $0x1, s19, s31, $0xb8;
	[tilespmem:$0x1F428] =	vst v63  }
0x159: {  	s2 =	sadd.s32 s2, s23;
	s20 =	sor.u32 $0xE300, s15;
	s11 =	sor.u32 $0x1800, s11  }
0x15a: {  	[tilespmem:s20], [sflag:$0x1] =	stream.indirect.gather [spmem:s4], $0x1, s11, s31, $0xb8;
	[tilespmem:$0x1F428] =	vst v63  }
0x15b: {  	s23 =	sor.u32 $0xE380, s15;
	s2 =	sor.u32 $0x1C00, s2  }
0x15c: {  	[tilespmem:s23], [sflag:$0x1] =	stream.indirect.gather [spmem:s4], $0x1, s2, s31, $0xb8;
	[tilespmem:$0x1F428] =	vst v63  }
0x15d: {  	s24 =	sand.u32 $0x7000, s5;
	_ =	swait.ge [sflag:s25], $0x400  }
0x15e: {  	s2 =	sshrl.u32 s24, $0x2;
	[sflag:s25] =	ssyncset.done $0x0  }
0x15f: {  	s2 =	sor.u32 $0xE000, s2;
	[sflag:s25] =	ssyncadd.s32 $0xFFFFFC00  }
0x160: {  	[hbm4b:s14+s31] =	stream.strided.scatter [tilespmem:s2], [sflag:$0x2], $0x400, s26, s31, $0x38;
	[tilespmem:$0x1F428] =	vst v63  }
0x161: {  	_ =	swait.ge [sflag:s28], $0x400  }
0x162: {  	[sflag:s28] =	ssyncset.done $0x0  }
0x163: {  	[sflag:s28] =	ssyncadd.s32 $0xFFFFFC00  }
0x164: {  	s1 =	sshrl.u32 s1, $0x3;
	_ =	swait.ge [sflag:s25], $0x400  }
0x165: {  	s1 =	sadd.s32 s1, s3;
	[sflag:s25] =	ssyncset.done $0x0  }
0x166: {  	s1 =	sadd.s32 $0x620000, s1;
	s29 =	simm.s32 $0xE400;
	[sflag:s25] =	ssyncadd.s32 $0xFFFFFC00  }
0x167: {  	[hbm4b:s1+s31] =	stream.strided.scatter [tilespmem:s29], [sflag:$0x2], $0x400, s26, s31, $0x38;
	[tilespmem:$0x1F428] =	vst v63  }
0x168: {  	_ =	swait.ge [sflag:s28], $0x400  }
0x169: {  	[sflag:s28] =	ssyncset.done $0x0  }
0x16a: {  	[sflag:s28] =	ssyncadd.s32 $0xFFFFFC00  }
0x16b: {  	_ =	swait.ge [sflag:s28], $0x400  }
0x16c: {  	[sflag:s28] =	ssyncset.done $0x0  }
0x16d: {  	[sflag:s28] =	ssyncadd.s32 $0xFFFFFC00  }
0x16e: {  	_ =	swait.ge [sflag:s28], $0x400  }
0x16f: {  	[sflag:s28] =	ssyncset.done $0x0  }
0x170: {  	[sflag:s28] =	ssyncadd.s32 $0xFFFFFC00  }
0x171: {  	_ =	swait.ge [sflag:s28], $0x400  }
0x172: {  	[sflag:s28] =	ssyncset.done $0x0  }
0x173: {  	[sflag:s28] =	ssyncadd.s32 $0xFFFFFC00  }
0x174: {  	_ =	swait.ge [sflag:s28], $0x400  }
0x175: {  	[sflag:s28] =	ssyncset.done $0x0  }
0x176: {  	[sflag:s28] =	ssyncadd.s32 $0xFFFFFC00  }
0x177: {  	_ =	swait.ge [sflag:s28], $0x400  }
0x178: {  	s13 =	sadd.s32 $0x1, s13;
	[sflag:s28] =	ssyncset.done $0x0  }
0x179: {  	p1 =	sne.s32 s13, $0x20;
	[sflag:s28] =	ssyncadd.s32 $0xFFFFFC00  }
.Ltmp7:
0x17a: {  	_ =	swait.ge [sflag:s28], $0x400;
	(pc) =	sbr.rel @p1 .LBB2_2-.Ltmp7, $4  }
0x17b: {  	[sflag:s28] =	ssyncset.done $0x0  }
0x17c: {  	[sflag:s28] =	ssyncadd.s32 $0xFFFFFC00  }
0x17d: {  	[bflag:$0x0] =	sbarrier.arrive $0xFFFF  }
0x17e: {  	s12 =	sadd.s32 $0x4000, s12;
	s6 =	sadd.s32 $0x1, s6  }
.Ltmp8:
0x17f: {  	(pc) =	sbr.rel @p5 .LBB2_16-.Ltmp8, $1  }
0x180: {  	_ =	sdelay $0x3  }
.Ltmp9:
0x181: {  	(pc) =	sbr.rel @p6 .LBB2_15-.Ltmp9, $1  }
0x182: {  	_ =	sdelay $0x3  }
0x183: {  	s1 =	sld [smem:$0x7D1];
	_ =	sdelay $0x2  }
0x184: {  	p1 =	seq.s32 s1, $0x1;
	s1 =	sld [smem:$0x7F5];
	_ =	sdelay $0x2  }
0x185: {  	s5 =	rddreg [dreg:$0x18];
	s2 =	simm.s32 @!p1 $0x1C83;
	s1 =	sshrl.u32 @!p1 s1, $0x3  }
0x186: {  	[spmem:s1], [sflag:s2] =	dma.local @!p1 [hbm:s5], $0x1E80  }
0x187: {  	s1 =	simm.s32 @!p1 $0x3  }
0x188: {  	_ =	swait.ge @!p1 [sflag:s1], $0x1E80  }
0x189: {  	[sflag:s1] =	ssyncset.done @!p1 $0x0;
	s24 =	sld [smem:$0x7D2]  }
0x18a: {  	[sflag:s1] =	ssyncadd.s32 @!p1 $0xFFFFE180;
	s1 =	sld [smem:$0x7F4];
	_ =	sdelay $0x1  }
0x18b: {  	p1 =	seq.s32 s24, $0x1  }
0x18c: {  	s5 =	rddreg [dreg:$0x17];
	s1 =	sshrl.u32 @!p1 s1, $0x3;
	s2 =	simm.s32 @!p1 $0x1CC3  }
0x18d: {  	[spmem:s1], [sflag:s2] =	dma.local @!p1 [hbm:s5], $0x1E80  }
0x18e: {  	s1 =	simm.s32 @!p1 $0x3  }
0x18f: {  	_ =	swait.ge @!p1 [sflag:s1], $0x1E80  }
0x190: {  	s2 =	simm.s32 @!p2 $0x1C03;
	[sflag:s1] =	ssyncset.done @!p1 $0x0  }
0x191: {  	s5 =	rddreg [dreg:$0x7];
	[sflag:s1] =	ssyncadd.s32 @!p1 $0xFFFFE180;
	s1 =	sshrl.u32 @!p2 s4, $0x3  }
0x192: {  	[spmem:s1], [sflag:s2] =	dma.local @!p2 [hbm:s5], $0x1E80  }
0x193: {  	s1 =	simm.s32 @!p2 $0x3  }
0x194: {  	_ =	swait.ge @!p2 [sflag:s1], $0x1E80  }
0x195: {  	s5 =	sld [smem:$0x7F7];
	_ =	sdelay $0x1  }
0x196: {  	[sflag:s1] =	ssyncset.done @!p2 $0x0  }
0x197: {  	s6 =	rddreg [dreg:$0x8];
	[sflag:s1] =	ssyncadd.s32 @!p2 $0xFFFFE180;
	s5 =	sshrl.u32 @!p2 s5, $0x3  }
0x198: {  	[spmem:s5], [sflag:s2] =	dma.local @!p2 [hbm:s6], $0x10  }
0x199: {  	_ =	swait.ge @!p2 [sflag:s1], $0x10  }
0x19a: {  	[sflag:s1] =	ssyncset.done @!p2 $0x0;
	s29 =	sld [smem:$0x7D3]  }
0x19b: {  	[sflag:s1] =	ssyncadd.s32 @!p2 $0xFFFFFFF0;
	s1 =	sld [smem:$0x7F6];
	_ =	sdelay $0x1  }
0x19c: {  	p1 =	seq.s32 s29, $0x1  }
0x19d: {  	s5 =	rddreg [dreg:$0x19];
	s1 =	sshrl.u32 @!p1 s1, $0x3;
	s2 =	simm.s32 @!p1 $0x1C43  }
0x19e: {  	[spmem:s1], [sflag:s2] =	dma.local @!p1 [hbm:s5], $0x1E80  }
.Ltmp10:
0x19f: {  	_ = 	snop;
	(pc) =	sbr.rel .LBB2_17-.Ltmp10, $4  }
0x1a0: {  	s1 =	simm.s32 @!p1 $0x3  }
0x1a1: {  	_ =	swait.ge @!p1 [sflag:s1], $0x1E80  }
0x1a2: {  	[sflag:s1] =	ssyncset.done @!p1 $0x0  }
0x1a3: {  	[sflag:s1] =	ssyncadd.s32 @!p1 $0xFFFFE180  }
.LBB2_16:
0x1a4: {  	s1 =	sld [smem:$0x7DA];
	_ =	sdelay $0x2  }
0x1a5: {  	p1 =	seq.s32 s1, $0x1;
	s1 =	sld [smem:$0x7E9];
	_ =	sdelay $0x2  }
0x1a6: {  	s5 =	rddreg [dreg:$0xb];
	s2 =	simm.s32 @!p1 $0x1F83;
	s1 =	sshrl.u32 @!p1 s1, $0x3  }
0x1a7: {  	[spmem:s1], [sflag:s2] =	dma.local @!p1 [hbm:s5], $0x1E90  }
0x1a8: {  	s1 =	simm.s32 @!p1 $0x3  }
0x1a9: {  	_ =	swait.ge @!p1 [sflag:s1], $0x1E90  }
0x1aa: {  	[sflag:s1] =	ssyncset.done @!p1 $0x0;
	s16 =	sld [smem:$0x7DC]  }
0x1ab: {  	[sflag:s1] =	ssyncadd.s32 @!p1 $0xFFFFE170;
	s1 =	sld [smem:$0x7E8];
	_ =	sdelay $0x1  }
0x1ac: {  	p1 =	seq.s32 s16, $0x1  }
0x1ad: {  	s5 =	rddreg [dreg:$0xa];
	s1 =	sshrl.u32 @!p1 s1, $0x3;
	s2 =	simm.s32 @!p1 $0x1FC3  }
0x1ae: {  	[spmem:s1], [sflag:s2] =	dma.local @!p1 [hbm:s5], $0x1E90  }
0x1af: {  	s1 =	simm.s32 @!p1 $0x3  }
0x1b0: {  	_ =	swait.ge @!p1 [sflag:s1], $0x1E90  }
0x1b1: {  	[sflag:s1] =	ssyncset.done @!p1 $0x0;
	s18 =	sld [smem:$0x7DD]  }
0x1b2: {  	[sflag:s1] =	ssyncadd.s32 @!p1 $0xFFFFE170;
	s1 =	sld [smem:$0x7EB];
	_ =	sdelay $0x1  }
0x1b3: {  	p1 =	seq.s32 s18, $0x1  }
0x1b4: {  	s5 =	rddreg [dreg:$0xd];
	s1 =	sshrl.u32 @!p1 s1, $0x3;
	s2 =	simm.s32 @!p1 $0x1F03  }
0x1b5: {  	[spmem:s1], [sflag:s2] =	dma.local @!p1 [hbm:s5], $0x1E90  }
0x1b6: {  	s1 =	simm.s32 @!p1 $0x3  }
0x1b7: {  	_ =	swait.ge @!p1 [sflag:s1], $0x1E90  }
0x1b8: {  	[sflag:s1] =	ssyncset.done @!p1 $0x0;
	s19 =	sld [smem:$0x7DF]  }
0x1b9: {  	[sflag:s1] =	ssyncadd.s32 @!p1 $0xFFFFE170;
	s1 =	sld [smem:$0x7EA];
	_ =	sdelay $0x1  }
0x1ba: {  	p1 =	seq.s32 s19, $0x1  }
0x1bb: {  	s5 =	rddreg [dreg:$0xc];
	s1 =	sshrl.u32 @!p1 s1, $0x3;
	s2 =	simm.s32 @!p1 $0x1F43  }
0x1bc: {  	[spmem:s1], [sflag:s2] =	dma.local @!p1 [hbm:s5], $0x1E90  }
0x1bd: {  	s1 =	simm.s32 @!p1 $0x3  }
0x1be: {  	_ =	swait.ge @!p1 [sflag:s1], $0x1E90  }
0x1bf: {  	[sflag:s1] =	ssyncset.done @!p1 $0x0;
	s20 =	sld [smem:$0x7E1]  }
0x1c0: {  	[sflag:s1] =	ssyncadd.s32 @!p1 $0xFFFFE170;
	s1 =	sld [smem:$0x7ED];
	_ =	sdelay $0x1  }
0x1c1: {  	p1 =	seq.s32 s20, $0x1  }
0x1c2: {  	s5 =	rddreg [dreg:$0xf];
	s1 =	sshrl.u32 @!p1 s1, $0x3;
	s2 =	simm.s32 @!p1 $0x1E83  }
0x1c3: {  	[spmem:s1], [sflag:s2] =	dma.local @!p1 [hbm:s5], $0x1E80  }
0x1c4: {  	s1 =	simm.s32 @!p1 $0x3  }
0x1c5: {  	_ =	swait.ge @!p1 [sflag:s1], $0x1E80  }
0x1c6: {  	[sflag:s1] =	ssyncset.done @!p1 $0x0;
	s23 =	sld [smem:$0x7E3]  }
0x1c7: {  	[sflag:s1] =	ssyncadd.s32 @!p1 $0xFFFFE180;
	s1 =	sld [smem:$0x7EC];
	_ =	sdelay $0x1  }
0x1c8: {  	p1 =	seq.s32 s23, $0x1  }
0x1c9: {  	s5 =	rddreg [dreg:$0xe];
	s1 =	sshrl.u32 @!p1 s1, $0x3;
	s2 =	simm.s32 @!p1 $0x1EC3  }
0x1ca: {  	[spmem:s1], [sflag:s2] =	dma.local @!p1 [hbm:s5], $0x1E80  }
0x1cb: {  	s1 =	simm.s32 @!p1 $0x3  }
0x1cc: {  	_ =	swait.ge @!p1 [sflag:s1], $0x1E80  }
0x1cd: {  	[sflag:s1] =	ssyncset.done @!p1 $0x0;
	s24 =	sld [smem:$0x7E5]  }
0x1ce: {  	[sflag:s1] =	ssyncadd.s32 @!p1 $0xFFFFE180;
	s1 =	sld [smem:$0x7EF];
	_ =	sdelay $0x1  }
0x1cf: {  	p1 =	seq.s32 s24, $0x1  }
0x1d0: {  	s5 =	rddreg [dreg:$0x12];
	s1 =	sshrl.u32 @!p1 s1, $0x3;
	s2 =	simm.s32 @!p1 $0x1E03  }
0x1d1: {  	[spmem:s1], [sflag:s2] =	dma.local @!p1 [hbm:s5], $0x1E80  }
0x1d2: {  	s1 =	simm.s32 @!p1 $0x3  }
0x1d3: {  	_ =	swait.ge @!p1 [sflag:s1], $0x1E80  }
0x1d4: {  	[sflag:s1] =	ssyncset.done @!p1 $0x0;
	s29 =	sld [smem:$0x7E6]  }
0x1d5: {  	[sflag:s1] =	ssyncadd.s32 @!p1 $0xFFFFE180;
	s1 =	sld [smem:$0x7EE];
	_ =	sdelay $0x1  }
0x1d6: {  	p1 =	seq.s32 s29, $0x1  }
0x1d7: {  	s5 =	rddreg [dreg:$0x10];
	s1 =	sshrl.u32 @!p1 s1, $0x3;
	s2 =	simm.s32 @!p1 $0x1E43  }
0x1d8: {  	[spmem:s1], [sflag:s2] =	dma.local @!p1 [hbm:s5], $0x1E80  }
.Ltmp11:
0x1d9: {  	_ = 	snop;
	(pc) =	sbr.rel .LBB2_17-.Ltmp11, $4  }
0x1da: {  	s1 =	simm.s32 @!p1 $0x3  }
0x1db: {  	_ =	swait.ge @!p1 [sflag:s1], $0x1E80  }
0x1dc: {  	[sflag:s1] =	ssyncset.done @!p1 $0x0  }
0x1dd: {  	[sflag:s1] =	ssyncadd.s32 @!p1 $0xFFFFE180  }
.LBB2_15:
0x1de: {  	s1 =	sld [smem:$0x7D4];
	_ =	sdelay $0x2  }
0x1df: {  	p1 =	seq.s32 s1, $0x1;
	s1 =	sld [smem:$0x7F1];
	_ =	sdelay $0x2  }
0x1e0: {  	s5 =	rddreg [dreg:$0x14];
	s2 =	simm.s32 @!p1 $0x1D83;
	s1 =	sshrl.u32 @!p1 s1, $0x3  }
0x1e1: {  	[spmem:s1], [sflag:s2] =	dma.local @!p1 [hbm:s5], $0x1E80  }
0x1e2: {  	s1 =	simm.s32 @!p1 $0x3  }
0x1e3: {  	_ =	swait.ge @!p1 [sflag:s1], $0x1E80  }
0x1e4: {  	[sflag:s1] =	ssyncset.done @!p1 $0x0;
	s23 =	sld [smem:$0x7D5]  }
0x1e5: {  	[sflag:s1] =	ssyncadd.s32 @!p1 $0xFFFFE180;
	s1 =	sld [smem:$0x7F0];
	_ =	sdelay $0x1  }
0x1e6: {  	p1 =	seq.s32 s23, $0x1  }
0x1e7: {  	s5 =	rddreg [dreg:$0x13];
	s1 =	sshrl.u32 @!p1 s1, $0x3;
	s2 =	simm.s32 @!p1 $0x1DC3  }
0x1e8: {  	[spmem:s1], [sflag:s2] =	dma.local @!p1 [hbm:s5], $0x1E80  }
0x1e9: {  	s1 =	simm.s32 @!p1 $0x3  }
0x1ea: {  	_ =	swait.ge @!p1 [sflag:s1], $0x1E80  }
0x1eb: {  	[sflag:s1] =	ssyncset.done @!p1 $0x0;
	s24 =	sld [smem:$0x7D6]  }
0x1ec: {  	[sflag:s1] =	ssyncadd.s32 @!p1 $0xFFFFE180;
	s1 =	sld [smem:$0x7F3];
	_ =	sdelay $0x1  }
0x1ed: {  	p1 =	seq.s32 s24, $0x1  }
0x1ee: {  	s5 =	rddreg [dreg:$0x16];
	s1 =	sshrl.u32 @!p1 s1, $0x3;
	s2 =	simm.s32 @!p1 $0x1D03  }
0x1ef: {  	[spmem:s1], [sflag:s2] =	dma.local @!p1 [hbm:s5], $0x1E80  }
0x1f0: {  	s1 =	simm.s32 @!p1 $0x3  }
0x1f1: {  	_ =	swait.ge @!p1 [sflag:s1], $0x1E80  }
0x1f2: {  	[sflag:s1] =	ssyncset.done @!p1 $0x0;
	s29 =	sld [smem:$0x7D7]  }
0x1f3: {  	[sflag:s1] =	ssyncadd.s32 @!p1 $0xFFFFE180;
	s1 =	sld [smem:$0x7F2];
	_ =	sdelay $0x1  }
0x1f4: {  	p0 =	seq.s32 s29, $0x1  }
0x1f5: {  	s5 =	rddreg [dreg:$0x15];
	s1 =	sshrl.u32 @!p0 s1, $0x3;
	s2 =	simm.s32 @!p0 $0x1D43  }
0x1f6: {  	[spmem:s1], [sflag:s2] =	dma.local @!p0 [hbm:s5], $0x1E80  }
0x1f7: {  	s1 =	simm.s32 @!p0 $0x3  }
0x1f8: {  	_ =	swait.ge @!p0 [sflag:s1], $0x1E80  }
0x1f9: {  	[sflag:s1] =	ssyncset.done @!p0 $0x0  }
0x1fa: {  	[sflag:s1] =	ssyncadd.s32 @!p0 $0xFFFFE180  }
.LBB2_17:
0x1fb: {  	[bflag:$0x0] =	sbarrier.arrive $0xFFFF  }
0x1fc: {  	s1 =	rddreg [dreg:$0x11]  }
0x1fd: {  	s29 =	sld [smem:$0x7F8]  }
0x1fe: {  	[tilespmem:s22], [sflag:$0x1] =	stream.indirect.gather [spmem:s4], $0x1, s1, s31, $0xb8;
	[tilespmem:$0x1F428] =	vst v63  }
0x1ff: {  	s2 =	simm.s32 $0xE080;
	s5 =	sld [smem:$0x7F9]  }
0x200: {  	[tilespmem:s2], [sflag:$0x1] =	stream.indirect.gather [spmem:s4], $0x1, s29, s31, $0xb8;
	[tilespmem:$0x1F428] =	vst v63  }
0x201: {  	s6 =	simm.s32 $0xE100;
	s7 =	sld [smem:$0x7FA]  }
0x202: {  	[tilespmem:s6], [sflag:$0x1] =	stream.indirect.gather [spmem:s4], $0x1, s5, s31, $0xb8;
	[tilespmem:$0x1F428] =	vst v63  }
0x203: {  	s11 =	simm.s32 $0xE180;
	s12 =	sld [smem:$0x7FB]  }
0x204: {  	[tilespmem:s11], [sflag:$0x1] =	stream.indirect.gather [spmem:s4], $0x1, s7, s31, $0xb8;
	[tilespmem:$0x1F428] =	vst v63  }
0x205: {  	s13 =	simm.s32 $0xE200;
	s14 =	sld [smem:$0x7FC]  }
0x206: {  	[tilespmem:s13], [sflag:$0x1] =	stream.indirect.gather [spmem:s4], $0x1, s12, s31, $0xb8;
	[tilespmem:$0x1F428] =	vst v63  }
0x207: {  	s15 =	simm.s32 $0xE280;
	s16 =	sld [smem:$0x7FD]  }
0x208: {  	[tilespmem:s15], [sflag:$0x1] =	stream.indirect.gather [spmem:s4], $0x1, s14, s31, $0xb8;
	[tilespmem:$0x1F428] =	vst v63  }
0x209: {  	s19 =	simm.s32 $0x400;
	p1 =	por $0x1, $0x1;
	s18 =	rddreg [dreg:$0x1a]  }
0x20a: {  	[tilespmem:s21], [sflag:$0x1] =	stream.indirect.gather [spmem:s4], $0x1, s16, s31, $0xb8;
	[tilespmem:$0x1F428] =	vst v63  }
0x20b: {  	s2 =	simm.s32 @!p1 $0x2;
	s5 =	sadd.s32 $0x400, s17;
	s7 =	sand.u32 $0x1C00, s19  }
0x20c: {  	[tilespmem:s30], [sflag:$0x1] =	stream.indirect.gather [spmem:s4], $0x1, s18, s31, $0xb8;
	[tilespmem:$0x1F428] =	vst v63  }
0x20d: {  	s5 =	sand.u32 $0x1E000, s5;
	s20 =	sor.u32 $0xE000, s7;
	_ =	swait.ge @!p1 [sflag:s2], $0x400  }
0x20e: {  	s23 =	sor.u32 $0xE080, s7;
	s24 =	sor.u32 $0xE100, s7;
	s14 =	rddreg [dreg:$0x1d]  }
0x20f: {  	s19 =	sor.u32 $0xE300, s7;
	s13 =	simm.s32 $0x0;
	s16 =	sld [smem:$0x7D8]  }
0x210: {  	s12 =	sor.u32 $0xE200, s7;
	s13 =	sand.u32 $0x7000, s13;
	s1 =	sadd.s32 $0x80, s14  }
0x211: {  	s18 =	sor.u32 $0xE280, s7;
	[sflag:s2] =	ssyncset.done @!p1 $0x0;
	s6 =	sand.u32 $0x380, s1  }
0x212: {  	[sflag:s2] =	ssyncadd.s32 @!p1 $0xFFFFFC00;
	s6 =	sor.u32 s6, s5;
	s15 =	sand.u32 $0x7, s16  }
0x213: {  	[tilespmem:s20], [sflag:$0x1] =	stream.indirect.gather [spmem:s4], $0x1, s6, s31, $0xb8;
	[tilespmem:$0x1F428] =	vst v63  }
0x214: {  	s5 =	sor.u32 $0x400, s6;
	s2 =	sshll.u32 s15, $0x7;
	s15 =	rddreg [dreg:$0x1f]  }
0x215: {  	[tilespmem:s23], [sflag:$0x1] =	stream.indirect.gather [spmem:s4], $0x1, s5, s31, $0xb8;
	[tilespmem:$0x1F428] =	vst v63  }
0x216: {  	s29 =	sor.u32 $0x800, s6;
	s11 =	sor.u32 $0xC00, s6;
	s20 =	sand.u32 $0xE0000, s15  }
0x217: {  	[tilespmem:s24], [sflag:$0x1] =	stream.indirect.gather [spmem:s4], $0x1, s29, s31, $0xb8;
	[tilespmem:$0x1F428] =	vst v63  }
0x218: {  	s5 =	sor.u32 $0xE180, s7;
	s23 =	sadd.s32 s2, s17;
	s2 =	simm.s32 $0x1000  }
0x219: {  	[tilespmem:s5], [sflag:$0x1] =	stream.indirect.gather [spmem:s4], $0x1, s11, s31, $0xb8;
	[tilespmem:$0x1F428] =	vst v63  }
0x21a: {  	s7 =	sor.u32 $0xE380, s7;
	s24 =	sand.u32 $0x380, s14;
	s11 =	sor.u32 $0x1000, s6  }
0x21b: {  	[tilespmem:s12], [sflag:$0x1] =	stream.indirect.gather [spmem:s4], $0x1, s11, s31, $0xb8;
	[tilespmem:$0x1F428] =	vst v63  }
0x21c: {  	s14 =	sor.u32 s20, s24;
	s5 =	simm.s32 $0x800;
	s12 =	sor.u32 $0x1400, s6  }
0x21d: {  	[tilespmem:s18], [sflag:$0x1] =	stream.indirect.gather [spmem:s4], $0x1, s12, s31, $0xb8;
	[tilespmem:$0x1F428] =	vst v63  }
0x21e: {  	s29 =	sor.u32 s10, s14;
	s6 =	sor.u32 $0x1800, s6;
	s11 =	sadd.s32 $0x400, s23  }
0x21f: {  	[tilespmem:s19], [sflag:$0x1] =	stream.indirect.gather [spmem:s4], $0x1, s6, s31, $0xb8;
	[tilespmem:$0x1F428] =	vst v63  }
0x220: {  	s11 =	sor.u32 $0x1C00, s11;
	s12 =	simm.s32 $0x1;
	s6 =	sadd.s32 $0x1, s16  }
0x221: {  	[tilespmem:s7], [sflag:$0x1] =	stream.indirect.gather [spmem:s4], $0x1, s11, s31, $0xb8;
	[tilespmem:$0x1F428] =	vst v63  }
0x222: {  	s19 =	sshrl.u32 s29, $0x3;
	s11 =	sadd.s32 $0x4000, s15;
	_ =	swait.ge [sflag:s25], $0x400  }
.LBB2_18:
0x223: {  	[sflag:s25] =	ssyncset.done $0x0;
	s7 =	sshrl.u32 s13, $0x2;
	s14 =	smov.u32 s5  }
0x224: {  	s5 =	sadd.s32 $0x400, s5;
	s16 =	smov.u32 s1;
	s13 =	smov.u32 s2  }
0x225: {  	s15 =	sadd.s32 s9, s19;
	[sflag:s25] =	ssyncadd.s32 $0xFFFFFC00;
	s7 =	sor.u32 $0xE000, s7  }
0x226: {  	[hbm4b:s15+s31] =	stream.strided.scatter [tilespmem:s7], [sflag:$0x2], $0x400, s26, s31, $0x38;
	[tilespmem:$0x1F428] =	vst v63  }
0x227: {  	p1 =	sne.s32 s5, $0x6400;
	s7 =	smov.u32 s6  }
0x228: {  	p3 =	slt.u32 s12, $0x7  }
0x229: {  	s18 =	sand.u32 $0x1C00, s14;
	s15 =	simm.s32 @!p3 $0x2  }
0x22a: {  	s1 =	sadd.s32 $0x80, s1;
	s19 =	sadd.s32 s14, s17;
	_ =	swait.ge @!p3 [sflag:s15], $0x400  }
0x22b: {  	s20 =	sand.u32 $0x380, s1;
	s19 =	sand.u32 $0x1E000, s19;
	[sflag:s15] =	ssyncset.done @!p3 $0x0  }
0x22c: {  	s19 =	sor.u32 s20, s19;
	[sflag:s15] =	ssyncadd.s32 @!p3 $0xFFFFFC00;
	s15 =	sor.u32 $0xE000, s18  }
0x22d: {  	[tilespmem:s15], [sflag:$0x1] =	stream.indirect.gather [spmem:s4], $0x1, s19, s31, $0xb8;
	[tilespmem:$0x1F428] =	vst v63  }
0x22e: {  	s2 =	sadd.s32 $0x1000, s2;
	s20 =	sor.u32 $0x400, s19;
	s15 =	sor.u32 $0xE080, s18  }
0x22f: {  	[tilespmem:s15], [sflag:$0x1] =	stream.indirect.gather [spmem:s4], $0x1, s20, s31, $0xb8;
	[tilespmem:$0x1F428] =	vst v63  }
0x230: {  	s23 =	sand.u32 $0xE0000, s11;
	s15 =	sor.u32 $0xE100, s18;
	s20 =	sor.u32 $0x800, s19  }
0x231: {  	[tilespmem:s15], [sflag:$0x1] =	stream.indirect.gather [spmem:s4], $0x1, s20, s31, $0xb8;
	[tilespmem:$0x1F428] =	vst v63  }
0x232: {  	s6 =	sadd.s32 $0x1, s6;
	s15 =	sor.u32 $0xE180, s18;
	s20 =	sor.u32 $0xC00, s19  }
0x233: {  	[tilespmem:s15], [sflag:$0x1] =	stream.indirect.gather [spmem:s4], $0x1, s20, s31, $0xb8;
	[tilespmem:$0x1F428] =	vst v63  }
0x234: {  	s16 =	sand.u32 $0x380, s16;
	s15 =	sor.u32 $0xE200, s18;
	s20 =	sor.u32 $0x1000, s19  }
0x235: {  	[tilespmem:s15], [sflag:$0x1] =	stream.indirect.gather [spmem:s4], $0x1, s20, s31, $0xb8;
	[tilespmem:$0x1F428] =	vst v63  }
0x236: {  	s7 =	sand.u32 $0x7, s7;
	s15 =	sor.u32 $0xE280, s18;
	s20 =	sor.u32 $0x1400, s19  }
0x237: {  	[tilespmem:s15], [sflag:$0x1] =	stream.indirect.gather [spmem:s4], $0x1, s20, s31, $0xb8;
	[tilespmem:$0x1F428] =	vst v63  }
0x238: {  	s7 =	sshll.u32 s7, $0x7;
	s19 =	sor.u32 $0x1800, s19;
	s15 =	sor.u32 $0xE300, s18  }
0x239: {  	[tilespmem:s15], [sflag:$0x1] =	stream.indirect.gather [spmem:s4], $0x1, s19, s31, $0xb8;
	[tilespmem:$0x1F428] =	vst v63  }
.Ltmp12:
0x23a: {  	s7 =	sadd.s32 s7, s17;
	s15 =	sor.u32 $0xE380, s18;
	(pc) =	sbr.rel @p1 .LBB2_18-.Ltmp12, $4  }
0x23b: {  	s11 =	sadd.s32 $0x4000, s11;
	s7 =	sadd.s32 s7, s14;
	s14 =	sor.u32 s23, s16  }
0x23c: {  	s12 =	sadd.s32 $0x1, s12;
	s7 =	sor.u32 $0x1C00, s7;
	s14 =	sor.u32 s10, s14  }
0x23d: {  	[tilespmem:s15], [sflag:$0x1] =	stream.indirect.gather [spmem:s4], $0x1, s7, s31, $0xb8;
	[tilespmem:$0x1F428] =	vst v63  }
0x23e: {  	s13 =	sand.u32 $0x7000, s13;
	s19 =	sshrl.u32 s14, $0x3;
	_ =	swait.ge [sflag:s25], $0x400  }
0x23f: {  	[sflag:s25] =	ssyncset.done $0x0;
	s1 =	sshrl.u32 s13, $0x2  }
0x240: {  	s2 =	sadd.s32 s9, s19;
	[sflag:s25] =	ssyncadd.s32 $0xFFFFFC00;
	s1 =	sor.u32 $0xE000, s1  }
0x241: {  	[hbm4b:s2+s31] =	stream.strided.scatter [tilespmem:s1], [sflag:$0x2], $0x400, s26, s31, $0x38;
	[tilespmem:$0x1F428] =	vst v63  }
0x242: {  	_ =	swait.ge [sflag:s28], $0x400  }
0x243: {  	[sflag:s28] =	ssyncset.done $0x0  }
0x244: {  	[sflag:s28] =	ssyncadd.s32 $0xFFFFFC00  }
0x245: {  	_ =	swait.ge [sflag:s25], $0x400  }
0x246: {  	[sflag:s25] =	ssyncset.done $0x0  }
0x247: {  	s23 =	rddreg [dreg:$0x1c];
	[sflag:s25] =	ssyncadd.s32 $0xFFFFFC00  }
0x248: {  	[hbm4b:s23+s31] =	stream.strided.scatter [tilespmem:s22], [sflag:$0x2], $0x400, s26, s31, $0x38;
	[tilespmem:$0x1F428] =	vst v63  }
0x249: {  	_ =	swait.ge [sflag:s28], $0x400  }
0x24a: {  	[sflag:s28] =	ssyncset.done $0x0  }
0x24b: {  	[sflag:s28] =	ssyncadd.s32 $0xFFFFFC00  }
0x24c: {  	_ =	swait.ge [sflag:s28], $0x400  }
0x24d: {  	[sflag:s28] =	ssyncset.done $0x0  }
0x24e: {  	[sflag:s28] =	ssyncadd.s32 $0xFFFFFC00  }
0x24f: {  	_ =	swait.ge [sflag:s28], $0x400  }
0x250: {  	[sflag:s28] =	ssyncset.done $0x0  }
0x251: {  	[sflag:s28] =	ssyncadd.s32 $0xFFFFFC00  }
0x252: {  	_ =	swait.ge [sflag:s28], $0x400  }
0x253: {  	[sflag:s28] =	ssyncset.done $0x0  }
0x254: {  	[sflag:s28] =	ssyncadd.s32 $0xFFFFFC00  }
0x255: {  	_ =	swait.ge [sflag:s28], $0x400  }
0x256: {  	[sflag:s28] =	ssyncset.done $0x0  }
0x257: {  	[sflag:s28] =	ssyncadd.s32 $0xFFFFFC00  }
0x258: {  	_ =	swait.ge [sflag:s28], $0x400  }
0x259: {  	[sflag:s28] =	ssyncset.done $0x0  }
0x25a: {  	[sflag:s28] =	ssyncadd.s32 $0xFFFFFC00  }
0x25b: {  	_ =	swait.ge [sflag:s28], $0x400  }
0x25c: {  	s24 =	sld [smem:$0x7D0];
	_ =	sdelay $0x2  }
0x25d: {  	s29 =	rddreg [dreg:$0x1b];
	s2 =	sadd.s32 $0x1, s24  }
0x25e: {  	p1 =	sne.s32 s2, s29  }
.Ltmp13:
0x25f: {  	_ = 	snop;
	(pc) =	sbr.rel @p1 .LBB2_1-.Ltmp13, $3  }
0x260: {  	[sflag:s28] =	ssyncset.done $0x0  }
0x261: {  	[sflag:s28] =	ssyncadd.s32 $0xFFFFFC00  }
0x262: {  	[bflag:$0x0] =	sbarrier.arrive $0xFFFF;
	_ =	sdelay $0x1  }
0x263: {  	_ =	sfence.sel $0x180000  }
0x264: {  	[bflag:$0x0] =	sbarrier.arrive $0xFFFF  }
0x265: {  	_ =	strace $0x90000047  }
0x266: {  	[bflag:$0x2] =	sbarrier.arrive $0xFFFF  }
0x267: {  	p0 =	sne.s32 s0, $0x0;
	s0 =	rddreg [dreg:$0x6]  }
0x268: {  	s0 =	sadd.s32 @!p0 $0x100000, s0  }
0x269: {  	[sflag:s0] =	ssyncadd.tile.s32 @!p0 $0x1;
	_ =	shalt  }
.Lfunc_end2:
_tile_overlayer_lowered:
.L_overlay_start_2:
0x26a: {  	(tag) =	ssettag $0x2  }
0x26b: {  	s0 =	rddreg [dreg:$0x0];
	s2 =	stileid.u32  }
0x26c: {  	s1 =	rddreg [dreg:$0x1];
	p0 =	sne.s32 s2, $0x0  }
0x26d: {  	s3 =	rddreg [dreg:$0x2];
	[bflag:$0x3] =	sbarrier.arrive $0xFFFF;
	s2 =	simm.s32 @!p0 $0x1C03  }
0x26e: {  	[timem:s3], [sflag:s2] =	dma.local @!p0 [hbm:s0], s1  }
0x26f: {  	s0 =	simm.s32 @!p0 $0x3  }
0x270: {  	_ =	swait.ge @!p0 [sflag:s0], s1  }
0x271: {  	s1 =	ssub.s32 @!p0 $0x0, s1;
	[sflag:s0] =	ssyncset.done @!p0 $0x0  }
0x272: {  	[sflag:s0] =	ssyncadd.s32 @!p0 s1  }
0x273: {  	[bflag:$0x3] =	sbarrier.arrive $0xFFFF  }
0x274: {  	_ =	shalt  }

</sc_bundles>
